<compile_context>
chip_gen: v7x
topology: tpu7x:2x2x1
jax: 0.10.2.dev20260603
libtpu: 0.0.44.dev20260713+nightly
codegen_flags: <defaults>
</compile_context>

<pallas_src>
import functools

import jax
import jax.numpy as jnp
from jax import lax
from jax.experimental import pallas as pl
from jax.experimental.pallas import tpu as pltpu
from jax.experimental.pallas import tpu_sc as plsc

NC = 2
NS = 16
LANES = 16
NW = NC * NS

D = 128
DC = D // LANES
IDX_CHUNK = 128


def _make_sc_kernel(N, S):
    rows_pw = N // NW
    n_gather = rows_pw // IDX_CHUNK

    mesh = plsc.VectorSubcoreMesh(
        core_axis_name="c", subcore_axis_name="s",
        num_cores=NC, num_subcores=NS)

    @functools.partial(
        pl.kernel,
        out_type=jax.ShapeDtypeStruct((N, D), jnp.float32),
        mesh=mesh,
        scratch_types=[
            pltpu.VMEM((rows_pw,), jnp.int32),
            pltpu.VMEM((rows_pw,), jnp.int32),
            pltpu.VMEM((rows_pw, D), jnp.float32),
            pltpu.VMEM((rows_pw, D), jnp.float32),
            pltpu.VMEM((D,), jnp.float32),
            pltpu.VMEM((D,), jnp.float32),
            pltpu.SemaphoreType.DMA,
        ],
    )
    def emb_kernel(ids_hbm, pids_hbm, wtok_hbm, wpos_hbm, gam_hbm, bet_hbm,
                   out_hbm, idx_v, pidx_v, tok_v, pos_v, gam_v, bet_v, sem):
        wid = lax.axis_index("s") * NC + lax.axis_index("c")
        base = wid * rows_pw
        sbase = lax.rem(base, S)

        pltpu.sync_copy(ids_hbm.at[pl.ds(base, rows_pw)], idx_v)
        pltpu.sync_copy(pids_hbm.at[pl.ds(sbase, rows_pw)], pidx_v)
        pltpu.sync_copy(gam_hbm, gam_v)
        pltpu.sync_copy(bet_hbm, bet_v)

        copies = []
        for j in range(n_gather):
            sl = pl.ds(j * IDX_CHUNK, IDX_CHUNK)
            copies.append(pltpu.make_async_copy(
                wtok_hbm.at[idx_v.at[sl]], tok_v.at[sl], sem))
            copies.append(pltpu.make_async_copy(
                wpos_hbm.at[pidx_v.at[sl]], pos_v.at[sl], sem))
        for c in copies:
            c.start()
        for c in copies:
            c.wait()

        gam = [gam_v[pl.ds(c * LANES, LANES)] for c in range(DC)]
        bet = [bet_v[pl.ds(c * LANES, LANES)] for c in range(DC)]

        inv_d = 1.0 / D
        lane = lax.iota(jnp.int32, LANES)
        perms = [lane ^ k for k in (1, 2, 4, 8)]

        def _hsum(v):
            for p in perms:
                v = v + v.at[p].get(mode="promise_in_bounds")
            return v

        def row_body(r, carry):
            xs = []
            s1 = jnp.zeros((LANES,), jnp.float32)
            s2 = jnp.zeros((LANES,), jnp.float32)
            for c in range(DC):
                x = (tok_v[r, pl.ds(c * LANES, LANES)]
                     + pos_v[r, pl.ds(c * LANES, LANES)])
                xs.append(x)
                s1 = s1 + x
                s2 = s2 + x * x
            mean = _hsum(s1) * inv_d
            var = _hsum(s2) * inv_d - mean * mean
            a = var + 1e-5
            i = lax.bitcast_convert_type(a, jnp.int32)
            i = 0x5F3759DF - lax.shift_right_logical(i, 1)
            y = lax.bitcast_convert_type(i, jnp.float32)
            half_a = 0.5 * a
            for _ in range(3):
                y = y * (1.5 - half_a * y * y)
            for c in range(DC):
                tok_v[r, pl.ds(c * LANES, LANES)] = (
                    (xs[c] - mean) * y * gam[c] + bet[c])
            return carry

        lax.fori_loop(0, rows_pw, row_body, 0, unroll=2)

        pltpu.sync_copy(tok_v, out_hbm.at[pl.ds(base, rows_pw)])

    return emb_kernel


_SC_KERNEL_CACHE = {}


def kernel(input_ids, position_ids, W_tok, W_pos, ln_gamma, ln_beta):
    B, S = input_ids.shape
    N = B * S
    key = (N, S)
    if key not in _SC_KERNEL_CACHE:
        _SC_KERNEL_CACHE[key] = _make_sc_kernel(N, S)
    ids = input_ids.reshape(N)
    out = _SC_KERNEL_CACHE[key](ids, position_ids, W_tok, W_pos,
                                ln_gamma, ln_beta)
    return out.reshape(B, S, D)

# --- scband reference (transcript-rebuilt; emitter-appended) ---
"""Pipeline reference for scband-compositional-embedding-47699906789412 (READ-ONLY COPY).

The authoritative reference and input builder live on the scoring server;
editing this copy changes nothing except your own understanding.
"""

import jax, jax.numpy as jnp
import numpy as np

VOCAB = 1000000
N_EMBD = 128
BLOCK = 2048
BATCH = 4
SEQ = 2048

def setup_inputs(seed: int = 0) -> dict:
    key = jax.random.key(seed)
    k1, k2, k3 = jax.random.split(key, 3)
    input_ids = jax.random.randint(k1, (BATCH, SEQ), 0, VOCAB, dtype=jnp.int32)
    position_ids = jnp.arange(SEQ, dtype=jnp.int32)
    W_tok = jax.random.normal(k2, (VOCAB, N_EMBD), dtype=jnp.float32) * 0.02
    W_pos = jax.random.normal(k3, (BLOCK, N_EMBD), dtype=jnp.float32) * 0.02
    ln_gamma = jnp.ones((N_EMBD,), dtype=jnp.float32)
    ln_beta = jnp.zeros((N_EMBD,), dtype=jnp.float32)
    return {"input_ids": input_ids, "position_ids": position_ids,
            "W_tok": W_tok, "W_pos": W_pos,
            "ln_gamma": ln_gamma, "ln_beta": ln_beta}

def _layer_norm(x, gamma, beta, eps=1e-5):
    mean = jnp.mean(x, axis=-1, keepdims=True)
    var = jnp.var(x, axis=-1, keepdims=True)
    xhat = (x - mean) / jnp.sqrt(var + eps)
    return xhat * gamma + beta

def reference(input_ids, position_ids, W_tok, W_pos, ln_gamma, ln_beta):
    # token embedding: gather rows of W_tok
    tok = jnp.take(W_tok, input_ids, axis=0)          # (B, S, D)
    # learned positional embedding: gather rows of W_pos
    pos = jnp.take(W_pos, position_ids, axis=0)       # (S, D)
    out = tok + pos[None, :, :]                        # broadcast over batch
    out = _layer_norm(out, ln_gamma, ln_beta)
    return out

if __name__ == "__main__":
    import jax
    _d = setup_inputs()
    print(jax.jit(kernel)(*tuple(_d.values())))

</pallas_src>

<mosaic_0001>
#map = affine_map<(d0, d1) -> (0)>
#map1 = affine_map<(d0, d1) -> (0, 0)>
module attributes {stable_mosaic.version = 14 : i64} {
  func.func @emb_kernel(%arg0: i32, %arg1: i32, %arg2: memref<8192xi32, #tpu.memory_space<hbm>>, %arg3: memref<2048xi32, #tpu.memory_space<hbm>>, %arg4: memref<1000000x128xf32, #tpu.memory_space<hbm>>, %arg5: memref<2048x128xf32, #tpu.memory_space<hbm>>, %arg6: memref<128xf32, #tpu.memory_space<hbm>>, %arg7: memref<128xf32, #tpu.memory_space<hbm>>, %arg8: memref<8192x128xf32, #tpu.memory_space<hbm>>, %arg9: memref<256xi32, #tpu.memory_space<vmem>>, %arg10: memref<256xi32, #tpu.memory_space<vmem>>, %arg11: memref<256x128xf32, #tpu.memory_space<vmem>>, %arg12: memref<256x128xf32, #tpu.memory_space<vmem>>, %arg13: memref<128xf32, #tpu.memory_space<vmem>>, %arg14: memref<128xf32, #tpu.memory_space<vmem>>, %arg15: memref<!tpu.dma_semaphore, #tpu.memory_space<semaphore_mem>>) attributes {dimension_semantics = [#tpu.dimension_semantics<core_parallel>, #tpu.dimension_semantics<subcore_parallel>], iteration_bounds = array<i64: 2, 16>, scalar_prefetch = 0 : i64, scratch_operands = 7 : i64, tpu.core_type = #tpu.core_type<sc_vector_subcore>, window_params = [{transform_indices = #map}, {transform_indices = #map}, {transform_indices = #map1}, {transform_indices = #map1}, {transform_indices = #map}, {transform_indices = #map}, {transform_indices = #map1}]} {
    %mul3A = arith.constant 2 : i32
    %mul3A_0 = arith.muli %arg1, %mul3A : i32
    %add3A = arith.addi %mul3A_0, %arg0 : i32
    %mul3A_1 = arith.constant 256 : i32
    %mul3A_2 = arith.muli %add3A, %mul3A_1 : i32
    %rem3A = arith.constant 2048 : i32
    %rem3A_3 = arith.remsi %mul3A_2, %rem3A : i32
    "tpu.region"() ({
      %run_scoped3A = tpu.sem_alloc : memref<!tpu.dma_semaphore, #tpu.memory_space<semaphore_mem>>
      %dma_start3A_129 = tpu.memref_slice %arg2[%mul3A_2] : memref<8192xi32, #tpu.memory_space<hbm>> -> memref<256xi32, #tpu.memory_space<hbm>>
      %dma_start3A_130 = tpu.memref_slice %arg2[%mul3A_2] : memref<8192xi32, #tpu.memory_space<hbm>> -> memref<256xi32, #tpu.memory_space<hbm>>
      tpu.enqueue_dma source(%dma_start3A_130 : memref<256xi32, #tpu.memory_space<hbm>>) target(%arg9 : memref<256xi32, #tpu.memory_space<vmem>>) target_semaphore(%run_scoped3A : memref<!tpu.dma_semaphore, #tpu.memory_space<semaphore_mem>>)
      %dma_wait3A_131 = tpu.memref_slice %arg2[%mul3A_2] : memref<8192xi32, #tpu.memory_space<hbm>> -> memref<256xi32, #tpu.memory_space<hbm>>
      %dma_wait3A_132 = tpu.memref_slice %arg2[%mul3A_2] : memref<8192xi32, #tpu.memory_space<hbm>> -> memref<256xi32, #tpu.memory_space<hbm>>
      tpu.wait_dma2 semaphore(%run_scoped3A : memref<!tpu.dma_semaphore, #tpu.memory_space<semaphore_mem>>) src(%dma_wait3A_132 : memref<256xi32, #tpu.memory_space<hbm>>) dst(%arg9 : memref<256xi32, #tpu.memory_space<vmem>>)
      tpu.yield
    }) : () -> ()
    "tpu.region"() ({
      %run_scoped3A = tpu.sem_alloc : memref<!tpu.dma_semaphore, #tpu.memory_space<semaphore_mem>>
      %dma_start3A_129 = tpu.memref_slice %arg3[%rem3A_3] : memref<2048xi32, #tpu.memory_space<hbm>> -> memref<256xi32, #tpu.memory_space<hbm>>
      %dma_start3A_130 = tpu.memref_slice %arg3[%rem3A_3] : memref<2048xi32, #tpu.memory_space<hbm>> -> memref<256xi32, #tpu.memory_space<hbm>>
      tpu.enqueue_dma source(%dma_start3A_130 : memref<256xi32, #tpu.memory_space<hbm>>) target(%arg10 : memref<256xi32, #tpu.memory_space<vmem>>) target_semaphore(%run_scoped3A : memref<!tpu.dma_semaphore, #tpu.memory_space<semaphore_mem>>)
      %dma_wait3A_131 = tpu.memref_slice %arg3[%rem3A_3] : memref<2048xi32, #tpu.memory_space<hbm>> -> memref<256xi32, #tpu.memory_space<hbm>>
      %dma_wait3A_132 = tpu.memref_slice %arg3[%rem3A_3] : memref<2048xi32, #tpu.memory_space<hbm>> -> memref<256xi32, #tpu.memory_space<hbm>>
      tpu.wait_dma2 semaphore(%run_scoped3A : memref<!tpu.dma_semaphore, #tpu.memory_space<semaphore_mem>>) src(%dma_wait3A_132 : memref<256xi32, #tpu.memory_space<hbm>>) dst(%arg10 : memref<256xi32, #tpu.memory_space<vmem>>)
      tpu.yield
    }) : () -> ()
    "tpu.region"() ({
      %run_scoped3A = tpu.sem_alloc : memref<!tpu.dma_semaphore, #tpu.memory_space<semaphore_mem>>
      tpu.enqueue_dma source(%arg6 : memref<128xf32, #tpu.memory_space<hbm>>) target(%arg13 : memref<128xf32, #tpu.memory_space<vmem>>) target_semaphore(%run_scoped3A : memref<!tpu.dma_semaphore, #tpu.memory_space<semaphore_mem>>)
      tpu.wait_dma2 semaphore(%run_scoped3A : memref<!tpu.dma_semaphore, #tpu.memory_space<semaphore_mem>>) src(%arg6 : memref<128xf32, #tpu.memory_space<hbm>>) dst(%arg13 : memref<128xf32, #tpu.memory_space<vmem>>)
      tpu.yield
    }) : () -> ()
    "tpu.region"() ({
      %run_scoped3A = tpu.sem_alloc : memref<!tpu.dma_semaphore, #tpu.memory_space<semaphore_mem>>
      tpu.enqueue_dma source(%arg7 : memref<128xf32, #tpu.memory_space<hbm>>) target(%arg14 : memref<128xf32, #tpu.memory_space<vmem>>) target_semaphore(%run_scoped3A : memref<!tpu.dma_semaphore, #tpu.memory_space<semaphore_mem>>)
      tpu.wait_dma2 semaphore(%run_scoped3A : memref<!tpu.dma_semaphore, #tpu.memory_space<semaphore_mem>>) src(%arg7 : memref<128xf32, #tpu.memory_space<hbm>>) dst(%arg14 : memref<128xf32, #tpu.memory_space<vmem>>)
      tpu.yield
    }) : () -> ()
    %dma_start3A = arith.constant 0 : i32
    %dma_start3A_4 = arith.constant 0 : i32
    %dma_start3A_5 = tpu.memref_slice %arg11[%dma_start3A, %dma_start3A_4] : memref<256x128xf32, #tpu.memory_space<vmem>> -> memref<128x128xf32, #tpu.memory_space<vmem>>
    %dma_start3A_6 = arith.constant 0 : i32
    %dma_start3A_7 = tpu.memref_slice %arg9[%dma_start3A_6] : memref<256xi32, #tpu.memory_space<vmem>> -> memref<128xi32, #tpu.memory_space<vmem>>
    %dma_start3A_8 = arith.constant 0 : i32
    %dma_start3A_9 = arith.constant 0 : i32
    %dma_start3A_10 = tpu.memref_slice %arg4[%dma_start3A_8, %dma_start3A_9] : memref<1000000x128xf32, #tpu.memory_space<hbm>> -> memref<1000000x128xf32, #tpu.memory_space<hbm>>
    tpu.enqueue_indirect_dma source(%dma_start3A_10 : memref<1000000x128xf32, #tpu.memory_space<hbm>>) target(%dma_start3A_5 : memref<128x128xf32, #tpu.memory_space<vmem>>) offsets(%dma_start3A_7 : memref<128xi32, #tpu.memory_space<vmem>>) semaphore(%arg15 : memref<!tpu.dma_semaphore, #tpu.memory_space<semaphore_mem>>)
    %dma_start3A_11 = arith.constant 0 : i32
    %dma_start3A_12 = arith.constant 0 : i32
    %dma_start3A_13 = tpu.memref_slice %arg12[%dma_start3A_11, %dma_start3A_12] : memref<256x128xf32, #tpu.memory_space<vmem>> -> memref<128x128xf32, #tpu.memory_space<vmem>>
    %dma_start3A_14 = arith.constant 0 : i32
    %dma_start3A_15 = tpu.memref_slice %arg10[%dma_start3A_14] : memref<256xi32, #tpu.memory_space<vmem>> -> memref<128xi32, #tpu.memory_space<vmem>>
    %dma_start3A_16 = arith.constant 0 : i32
    %dma_start3A_17 = arith.constant 0 : i32
    %dma_start3A_18 = tpu.memref_slice %arg5[%dma_start3A_16, %dma_start3A_17] : memref<2048x128xf32, #tpu.memory_space<hbm>> -> memref<2048x128xf32, #tpu.memory_space<hbm>>
    tpu.enqueue_indirect_dma source(%dma_start3A_18 : memref<2048x128xf32, #tpu.memory_space<hbm>>) target(%dma_start3A_13 : memref<128x128xf32, #tpu.memory_space<vmem>>) offsets(%dma_start3A_15 : memref<128xi32, #tpu.memory_space<vmem>>) semaphore(%arg15 : memref<!tpu.dma_semaphore, #tpu.memory_space<semaphore_mem>>)
    %dma_start3A_19 = arith.constant 128 : i32
    %dma_start3A_20 = arith.constant 0 : i32
    %dma_start3A_21 = tpu.memref_slice %arg11[%dma_start3A_19, %dma_start3A_20] : memref<256x128xf32, #tpu.memory_space<vmem>> -> memref<128x128xf32, #tpu.memory_space<vmem>>
    %dma_start3A_22 = arith.constant 128 : i32
    %dma_start3A_23 = tpu.memref_slice %arg9[%dma_start3A_22] : memref<256xi32, #tpu.memory_space<vmem>> -> memref<128xi32, #tpu.memory_space<vmem>>
    %dma_start3A_24 = arith.constant 0 : i32
    %dma_start3A_25 = arith.constant 0 : i32
    %dma_start3A_26 = tpu.memref_slice %arg4[%dma_start3A_24, %dma_start3A_25] : memref<1000000x128xf32, #tpu.memory_space<hbm>> -> memref<1000000x128xf32, #tpu.memory_space<hbm>>
    tpu.enqueue_indirect_dma source(%dma_start3A_26 : memref<1000000x128xf32, #tpu.memory_space<hbm>>) target(%dma_start3A_21 : memref<128x128xf32, #tpu.memory_space<vmem>>) offsets(%dma_start3A_23 : memref<128xi32, #tpu.memory_space<vmem>>) semaphore(%arg15 : memref<!tpu.dma_semaphore, #tpu.memory_space<semaphore_mem>>)
    %dma_start3A_27 = arith.constant 128 : i32
    %dma_start3A_28 = arith.constant 0 : i32
    %dma_start3A_29 = tpu.memref_slice %arg12[%dma_start3A_27, %dma_start3A_28] : memref<256x128xf32, #tpu.memory_space<vmem>> -> memref<128x128xf32, #tpu.memory_space<vmem>>
    %dma_start3A_30 = arith.constant 128 : i32
    %dma_start3A_31 = tpu.memref_slice %arg10[%dma_start3A_30] : memref<256xi32, #tpu.memory_space<vmem>> -> memref<128xi32, #tpu.memory_space<vmem>>
    %dma_start3A_32 = arith.constant 0 : i32
    %dma_start3A_33 = arith.constant 0 : i32
    %dma_start3A_34 = tpu.memref_slice %arg5[%dma_start3A_32, %dma_start3A_33] : memref<2048x128xf32, #tpu.memory_space<hbm>> -> memref<2048x128xf32, #tpu.memory_space<hbm>>
    tpu.enqueue_indirect_dma source(%dma_start3A_34 : memref<2048x128xf32, #tpu.memory_space<hbm>>) target(%dma_start3A_29 : memref<128x128xf32, #tpu.memory_space<vmem>>) offsets(%dma_start3A_31 : memref<128xi32, #tpu.memory_space<vmem>>) semaphore(%arg15 : memref<!tpu.dma_semaphore, #tpu.memory_space<semaphore_mem>>)
    %dma_wait3A = arith.constant 0 : i32
    %dma_wait3A_35 = arith.constant 0 : i32
    %dma_wait3A_36 = tpu.memref_slice %arg11[%dma_wait3A, %dma_wait3A_35] : memref<256x128xf32, #tpu.memory_space<vmem>> -> memref<128x128xf32, #tpu.memory_space<vmem>>
    %dma_wait3A_37 = arith.constant 0 : i32
    %dma_wait3A_38 = tpu.memref_slice %arg9[%dma_wait3A_37] : memref<256xi32, #tpu.memory_space<vmem>> -> memref<128xi32, #tpu.memory_space<vmem>>
    %dma_wait3A_39 = arith.constant 0 : i32
    %dma_wait3A_40 = arith.constant 0 : i32
    %dma_wait3A_41 = tpu.memref_slice %arg4[%dma_wait3A_39, %dma_wait3A_40] : memref<1000000x128xf32, #tpu.memory_space<hbm>> -> memref<1000000x128xf32, #tpu.memory_space<hbm>>
    tpu.wait_indirect_dma semaphore(%arg15 : memref<!tpu.dma_semaphore, #tpu.memory_space<semaphore_mem>>) src(%dma_wait3A_41 : memref<1000000x128xf32, #tpu.memory_space<hbm>>) dst(%dma_wait3A_36 : memref<128x128xf32, #tpu.memory_space<vmem>>)
    %dma_wait3A_42 = arith.constant 0 : i32
    %dma_wait3A_43 = arith.constant 0 : i32
    %dma_wait3A_44 = tpu.memref_slice %arg12[%dma_wait3A_42, %dma_wait3A_43] : memref<256x128xf32, #tpu.memory_space<vmem>> -> memref<128x128xf32, #tpu.memory_space<vmem>>
    %dma_wait3A_45 = arith.constant 0 : i32
    %dma_wait3A_46 = tpu.memref_slice %arg10[%dma_wait3A_45] : memref<256xi32, #tpu.memory_space<vmem>> -> memref<128xi32, #tpu.memory_space<vmem>>
    %dma_wait3A_47 = arith.constant 0 : i32
    %dma_wait3A_48 = arith.constant 0 : i32
    %dma_wait3A_49 = tpu.memref_slice %arg5[%dma_wait3A_47, %dma_wait3A_48] : memref<2048x128xf32, #tpu.memory_space<hbm>> -> memref<2048x128xf32, #tpu.memory_space<hbm>>
    tpu.wait_indirect_dma semaphore(%arg15 : memref<!tpu.dma_semaphore, #tpu.memory_space<semaphore_mem>>) src(%dma_wait3A_49 : memref<2048x128xf32, #tpu.memory_space<hbm>>) dst(%dma_wait3A_44 : memref<128x128xf32, #tpu.memory_space<vmem>>)
    %dma_wait3A_50 = arith.constant 128 : i32
    %dma_wait3A_51 = arith.constant 0 : i32
    %dma_wait3A_52 = tpu.memref_slice %arg11[%dma_wait3A_50, %dma_wait3A_51] : memref<256x128xf32, #tpu.memory_space<vmem>> -> memref<128x128xf32, #tpu.memory_space<vmem>>
    %dma_wait3A_53 = arith.constant 128 : i32
    %dma_wait3A_54 = tpu.memref_slice %arg9[%dma_wait3A_53] : memref<256xi32, #tpu.memory_space<vmem>> -> memref<128xi32, #tpu.memory_space<vmem>>
    %dma_wait3A_55 = arith.constant 0 : i32
    %dma_wait3A_56 = arith.constant 0 : i32
    %dma_wait3A_57 = tpu.memref_slice %arg4[%dma_wait3A_55, %dma_wait3A_56] : memref<1000000x128xf32, #tpu.memory_space<hbm>> -> memref<1000000x128xf32, #tpu.memory_space<hbm>>
    tpu.wait_indirect_dma semaphore(%arg15 : memref<!tpu.dma_semaphore, #tpu.memory_space<semaphore_mem>>) src(%dma_wait3A_57 : memref<1000000x128xf32, #tpu.memory_space<hbm>>) dst(%dma_wait3A_52 : memref<128x128xf32, #tpu.memory_space<vmem>>)
    %dma_wait3A_58 = arith.constant 128 : i32
    %dma_wait3A_59 = arith.constant 0 : i32
    %dma_wait3A_60 = tpu.memref_slice %arg12[%dma_wait3A_58, %dma_wait3A_59] : memref<256x128xf32, #tpu.memory_space<vmem>> -> memref<128x128xf32, #tpu.memory_space<vmem>>
    %dma_wait3A_61 = arith.constant 128 : i32
    %dma_wait3A_62 = tpu.memref_slice %arg10[%dma_wait3A_61] : memref<256xi32, #tpu.memory_space<vmem>> -> memref<128xi32, #tpu.memory_space<vmem>>
    %dma_wait3A_63 = arith.constant 0 : i32
    %dma_wait3A_64 = arith.constant 0 : i32
    %dma_wait3A_65 = tpu.memref_slice %arg5[%dma_wait3A_63, %dma_wait3A_64] : memref<2048x128xf32, #tpu.memory_space<hbm>> -> memref<2048x128xf32, #tpu.memory_space<hbm>>
    tpu.wait_indirect_dma semaphore(%arg15 : memref<!tpu.dma_semaphore, #tpu.memory_space<semaphore_mem>>) src(%dma_wait3A_65 : memref<2048x128xf32, #tpu.memory_space<hbm>>) dst(%dma_wait3A_60 : memref<128x128xf32, #tpu.memory_space<vmem>>)
    %get3A = arith.constant 0 : index
    %get3A_66 = tpu.vector_load %arg13[%get3A] {strides = array<i32>} : memref<128xf32, #tpu.memory_space<vmem>>, vector<16xf32>,
    %get3A_67 = vector.shape_cast %get3A_66 : vector<16xf32> to vector<16xf32>
    %get3A_68 = arith.constant 16 : index
    %get3A_69 = tpu.vector_load %arg13[%get3A_68] {strides = array<i32>} : memref<128xf32, #tpu.memory_space<vmem>>, vector<16xf32>,
    %get3A_70 = vector.shape_cast %get3A_69 : vector<16xf32> to vector<16xf32>
    %get3A_71 = arith.constant 32 : index
    %get3A_72 = tpu.vector_load %arg13[%get3A_71] {strides = array<i32>} : memref<128xf32, #tpu.memory_space<vmem>>, vector<16xf32>,
    %get3A_73 = vector.shape_cast %get3A_72 : vector<16xf32> to vector<16xf32>
    %get3A_74 = arith.constant 48 : index
    %get3A_75 = tpu.vector_load %arg13[%get3A_74] {strides = array<i32>} : memref<128xf32, #tpu.memory_space<vmem>>, vector<16xf32>,
    %get3A_76 = vector.shape_cast %get3A_75 : vector<16xf32> to vector<16xf32>
    %get3A_77 = arith.constant 64 : index
    %get3A_78 = tpu.vector_load %arg13[%get3A_77] {strides = array<i32>} : memref<128xf32, #tpu.memory_space<vmem>>, vector<16xf32>,
    %get3A_79 = vector.shape_cast %get3A_78 : vector<16xf32> to vector<16xf32>
    %get3A_80 = arith.constant 80 : index
    %get3A_81 = tpu.vector_load %arg13[%get3A_80] {strides = array<i32>} : memref<128xf32, #tpu.memory_space<vmem>>, vector<16xf32>,
    %get3A_82 = vector.shape_cast %get3A_81 : vector<16xf32> to vector<16xf32>
    %get3A_83 = arith.constant 96 : index
    %get3A_84 = tpu.vector_load %arg13[%get3A_83] {strides = array<i32>} : memref<128xf32, #tpu.memory_space<vmem>>, vector<16xf32>,
    %get3A_85 = vector.shape_cast %get3A_84 : vector<16xf32> to vector<16xf32>
    %get3A_86 = arith.constant 112 : index
    %get3A_87 = tpu.vector_load %arg13[%get3A_86] {strides = array<i32>} : memref<128xf32, #tpu.memory_space<vmem>>, vector<16xf32>,
    %get3A_88 = vector.shape_cast %get3A_87 : vector<16xf32> to vector<16xf32>
    %get3A_89 = arith.constant 0 : index
    %get3A_90 = tpu.vector_load %arg14[%get3A_89] {strides = array<i32>} : memref<128xf32, #tpu.memory_space<vmem>>, vector<16xf32>,
    %get3A_91 = vector.shape_cast %get3A_90 : vector<16xf32> to vector<16xf32>
    %get3A_92 = arith.constant 16 : index
    %get3A_93 = tpu.vector_load %arg14[%get3A_92] {strides = array<i32>} : memref<128xf32, #tpu.memory_space<vmem>>, vector<16xf32>,
    %get3A_94 = vector.shape_cast %get3A_93 : vector<16xf32> to vector<16xf32>
    %get3A_95 = arith.constant 32 : index
    %get3A_96 = tpu.vector_load %arg14[%get3A_95] {strides = array<i32>} : memref<128xf32, #tpu.memory_space<vmem>>, vector<16xf32>,
    %get3A_97 = vector.shape_cast %get3A_96 : vector<16xf32> to vector<16xf32>
    %get3A_98 = arith.constant 48 : index
    %get3A_99 = tpu.vector_load %arg14[%get3A_98] {strides = array<i32>} : memref<128xf32, #tpu.memory_space<vmem>>, vector<16xf32>,
    %get3A_100 = vector.shape_cast %get3A_99 : vector<16xf32> to vector<16xf32>
    %get3A_101 = arith.constant 64 : index
    %get3A_102 = tpu.vector_load %arg14[%get3A_101] {strides = array<i32>} : memref<128xf32, #tpu.memory_space<vmem>>, vector<16xf32>,
    %get3A_103 = vector.shape_cast %get3A_102 : vector<16xf32> to vector<16xf32>
    %get3A_104 = arith.constant 80 : index
    %get3A_105 = tpu.vector_load %arg14[%get3A_104] {strides = array<i32>} : memref<128xf32, #tpu.memory_space<vmem>>, vector<16xf32>,
    %get3A_106 = vector.shape_cast %get3A_105 : vector<16xf32> to vector<16xf32>
    %get3A_107 = arith.constant 96 : index
    %get3A_108 = tpu.vector_load %arg14[%get3A_107] {strides = array<i32>} : memref<128xf32, #tpu.memory_space<vmem>>, vector<16xf32>,
    %get3A_109 = vector.shape_cast %get3A_108 : vector<16xf32> to vector<16xf32>
    %get3A_110 = arith.constant 112 : index
    %get3A_111 = tpu.vector_load %arg14[%get3A_110] {strides = array<i32>} : memref<128xf32, #tpu.memory_space<vmem>>, vector<16xf32>,
    %get3A_112 = vector.shape_cast %get3A_111 : vector<16xf32> to vector<16xf32>
    %iota3A = tpu.iota {dimensions = array<i32: 0>} : vector<16xi32>
    %xor3A = arith.constant 1 : i32
    %xor3A_113 = vector.broadcast %xor3A : i32 to vector<16xi32>
    %xor3A_114 = arith.xori %iota3A, %xor3A_113 : vector<16xi32>
    %xor3A_115 = arith.constant 2 : i32
    %xor3A_116 = vector.broadcast %xor3A_115 : i32 to vector<16xi32>
    %xor3A_117 = arith.xori %iota3A, %xor3A_116 : vector<16xi32>
    %xor3A_118 = arith.constant 4 : i32
    %xor3A_119 = vector.broadcast %xor3A_118 : i32 to vector<16xi32>
    %xor3A_120 = arith.xori %iota3A, %xor3A_119 : vector<16xi32>
    %xor3A_121 = arith.constant 8 : i32
    %xor3A_122 = vector.broadcast %xor3A_121 : i32 to vector<16xi32>
    %xor3A_123 = arith.xori %iota3A, %xor3A_122 : vector<16xi32>
    %scan3A = arith.constant 0 : i32
    %scan3A_124 = arith.constant 0 : i32
    %scan3A_125 = arith.constant 256 : i32
    %scan3A_126 = arith.addi %scan3A_124, %scan3A_125 : i32
    %scan3A_127 = arith.constant 2 : i32
    scf.for %scan3A_129 = %scan3A_124 to %scan3A_126 step %scan3A_127  : i32 {
      %broadcast_in_dim3A = arith.constant 0.000000e+00 : f32
      %broadcast_in_dim3A_130 = vector.broadcast %broadcast_in_dim3A : f32 to vector<16xf32>
      %broadcast_in_dim3A_131 = arith.constant 0.000000e+00 : f32
      %broadcast_in_dim3A_132 = vector.broadcast %broadcast_in_dim3A_131 : f32 to vector<16xf32>
      %get3A_133 = arith.index_cast %scan3A_129 : i32 to index
      %get3A_134 = arith.constant 0 : index
      %get3A_135 = tpu.vector_load %arg11[%get3A_133, %get3A_134] {strides = array<i32>} : memref<256x128xf32, #tpu.memory_space<vmem>>, vector<1x16xf32>,
      %get3A_136 = vector.shape_cast %get3A_135 : vector<1x16xf32> to vector<16xf32>
      %get3A_137 = arith.index_cast %scan3A_129 : i32 to index
      %get3A_138 = arith.constant 0 : index
      %get3A_139 = tpu.vector_load %arg12[%get3A_137, %get3A_138] {strides = array<i32>} : memref<256x128xf32, #tpu.memory_space<vmem>>, vector<1x16xf32>,
      %get3A_140 = vector.shape_cast %get3A_139 : vector<1x16xf32> to vector<16xf32>
      %add3A_141 = arith.addf %get3A_136, %get3A_140 : vector<16xf32>
      %add3A_142 = arith.addf %broadcast_in_dim3A_130, %add3A_141 : vector<16xf32>
      %mul3A_143 = arith.mulf %add3A_141, %add3A_141 : vector<16xf32>
      %add3A_144 = arith.addf %broadcast_in_dim3A_132, %mul3A_143 : vector<16xf32>
      %get3A_145 = arith.index_cast %scan3A_129 : i32 to index
      %get3A_146 = arith.constant 16 : index
      %get3A_147 = tpu.vector_load %arg11[%get3A_145, %get3A_146] {strides = array<i32>} : memref<256x128xf32, #tpu.memory_space<vmem>>, vector<1x16xf32>,
      %get3A_148 = vector.shape_cast %get3A_147 : vector<1x16xf32> to vector<16xf32>
      %get3A_149 = arith.index_cast %scan3A_129 : i32 to index
      %get3A_150 = arith.constant 16 : index
      %get3A_151 = tpu.vector_load %arg12[%get3A_149, %get3A_150] {strides = array<i32>} : memref<256x128xf32, #tpu.memory_space<vmem>>, vector<1x16xf32>,
      %get3A_152 = vector.shape_cast %get3A_151 : vector<1x16xf32> to vector<16xf32>
      %add3A_153 = arith.addf %get3A_148, %get3A_152 : vector<16xf32>
      %add3A_154 = arith.addf %add3A_142, %add3A_153 : vector<16xf32>
      %mul3A_155 = arith.mulf %add3A_153, %add3A_153 : vector<16xf32>
      %add3A_156 = arith.addf %add3A_144, %mul3A_155 : vector<16xf32>
      %get3A_157 = arith.index_cast %scan3A_129 : i32 to index
      %get3A_158 = arith.constant 32 : index
      %get3A_159 = tpu.vector_load %arg11[%get3A_157, %get3A_158] {strides = array<i32>} : memref<256x128xf32, #tpu.memory_space<vmem>>, vector<1x16xf32>,
      %get3A_160 = vector.shape_cast %get3A_159 : vector<1x16xf32> to vector<16xf32>
      %get3A_161 = arith.index_cast %scan3A_129 : i32 to index
      %get3A_162 = arith.constant 32 : index
      %get3A_163 = tpu.vector_load %arg12[%get3A_161, %get3A_162] {strides = array<i32>} : memref<256x128xf32, #tpu.memory_space<vmem>>, vector<1x16xf32>,
      %get3A_164 = vector.shape_cast %get3A_163 : vector<1x16xf32> to vector<16xf32>
      %add3A_165 = arith.addf %get3A_160, %get3A_164 : vector<16xf32>
      %add3A_166 = arith.addf %add3A_154, %add3A_165 : vector<16xf32>
      %mul3A_167 = arith.mulf %add3A_165, %add3A_165 : vector<16xf32>
      %add3A_168 = arith.addf %add3A_156, %mul3A_167 : vector<16xf32>
      %get3A_169 = arith.index_cast %scan3A_129 : i32 to index
      %get3A_170 = arith.constant 48 : index
      %get3A_171 = tpu.vector_load %arg11[%get3A_169, %get3A_170] {strides = array<i32>} : memref<256x128xf32, #tpu.memory_space<vmem>>, vector<1x16xf32>,
      %get3A_172 = vector.shape_cast %get3A_171 : vector<1x16xf32> to vector<16xf32>
      %get3A_173 = arith.index_cast %scan3A_129 : i32 to index
      %get3A_174 = arith.constant 48 : index
      %get3A_175 = tpu.vector_load %arg12[%get3A_173, %get3A_174] {strides = array<i32>} : memref<256x128xf32, #tpu.memory_space<vmem>>, vector<1x16xf32>,
      %get3A_176 = vector.shape_cast %get3A_175 : vector<1x16xf32> to vector<16xf32>
      %add3A_177 = arith.addf %get3A_172, %get3A_176 : vector<16xf32>
      %add3A_178 = arith.addf %add3A_166, %add3A_177 : vector<16xf32>
      %mul3A_179 = arith.mulf %add3A_177, %add3A_177 : vector<16xf32>
      %add3A_180 = arith.addf %add3A_168, %mul3A_179 : vector<16xf32>
      %get3A_181 = arith.index_cast %scan3A_129 : i32 to index
      %get3A_182 = arith.constant 64 : index
      %get3A_183 = tpu.vector_load %arg11[%get3A_181, %get3A_182] {strides = array<i32>} : memref<256x128xf32, #tpu.memory_space<vmem>>, vector<1x16xf32>,
      %get3A_184 = vector.shape_cast %get3A_183 : vector<1x16xf32> to vector<16xf32>
      %get3A_185 = arith.index_cast %scan3A_129 : i32 to index
      %get3A_186 = arith.constant 64 : index
      %get3A_187 = tpu.vector_load %arg12[%get3A_185, %get3A_186] {strides = array<i32>} : memref<256x128xf32, #tpu.memory_space<vmem>>, vector<1x16xf32>,
      %get3A_188 = vector.shape_cast %get3A_187 : vector<1x16xf32> to vector<16xf32>
      %add3A_189 = arith.addf %get3A_184, %get3A_188 : vector<16xf32>
      %add3A_190 = arith.addf %add3A_178, %add3A_189 : vector<16xf32>
      %mul3A_191 = arith.mulf %add3A_189, %add3A_189 : vector<16xf32>
      %add3A_192 = arith.addf %add3A_180, %mul3A_191 : vector<16xf32>
      %get3A_193 = arith.index_cast %scan3A_129 : i32 to index
      %get3A_194 = arith.constant 80 : index
      %get3A_195 = tpu.vector_load %arg11[%get3A_193, %get3A_194] {strides = array<i32>} : memref<256x128xf32, #tpu.memory_space<vmem>>, vector<1x16xf32>,
      %get3A_196 = vector.shape_cast %get3A_195 : vector<1x16xf32> to vector<16xf32>
      %get3A_197 = arith.index_cast %scan3A_129 : i32 to index
      %get3A_198 = arith.constant 80 : index
      %get3A_199 = tpu.vector_load %arg12[%get3A_197, %get3A_198] {strides = array<i32>} : memref<256x128xf32, #tpu.memory_space<vmem>>, vector<1x16xf32>,
      %get3A_200 = vector.shape_cast %get3A_199 : vector<1x16xf32> to vector<16xf32>
      %add3A_201 = arith.addf %get3A_196, %get3A_200 : vector<16xf32>
      %add3A_202 = arith.addf %add3A_190, %add3A_201 : vector<16xf32>
      %mul3A_203 = arith.mulf %add3A_201, %add3A_201 : vector<16xf32>
      %add3A_204 = arith.addf %add3A_192, %mul3A_203 : vector<16xf32>
      %get3A_205 = arith.index_cast %scan3A_129 : i32 to index
      %get3A_206 = arith.constant 96 : index
      %get3A_207 = tpu.vector_load %arg11[%get3A_205, %get3A_206] {strides = array<i32>} : memref<256x128xf32, #tpu.memory_space<vmem>>, vector<1x16xf32>,
      %get3A_208 = vector.shape_cast %get3A_207 : vector<1x16xf32> to vector<16xf32>
      %get3A_209 = arith.index_cast %scan3A_129 : i32 to index
      %get3A_210 = arith.constant 96 : index
      %get3A_211 = tpu.vector_load %arg12[%get3A_209, %get3A_210] {strides = array<i32>} : memref<256x128xf32, #tpu.memory_space<vmem>>, vector<1x16xf32>,
      %get3A_212 = vector.shape_cast %get3A_211 : vector<1x16xf32> to vector<16xf32>
      %add3A_213 = arith.addf %get3A_208, %get3A_212 : vector<16xf32>
      %add3A_214 = arith.addf %add3A_202, %add3A_213 : vector<16xf32>
      %mul3A_215 = arith.mulf %add3A_213, %add3A_213 : vector<16xf32>
      %add3A_216 = arith.addf %add3A_204, %mul3A_215 : vector<16xf32>
      %get3A_217 = arith.index_cast %scan3A_129 : i32 to index
      %get3A_218 = arith.constant 112 : index
      %get3A_219 = tpu.vector_load %arg11[%get3A_217, %get3A_218] {strides = array<i32>} : memref<256x128xf32, #tpu.memory_space<vmem>>, vector<1x16xf32>,
      %get3A_220 = vector.shape_cast %get3A_219 : vector<1x16xf32> to vector<16xf32>
      %get3A_221 = arith.index_cast %scan3A_129 : i32 to index
      %get3A_222 = arith.constant 112 : index
      %get3A_223 = tpu.vector_load %arg12[%get3A_221, %get3A_222] {strides = array<i32>} : memref<256x128xf32, #tpu.memory_space<vmem>>, vector<1x16xf32>,
      %get3A_224 = vector.shape_cast %get3A_223 : vector<1x16xf32> to vector<16xf32>
      %add3A_225 = arith.addf %get3A_220, %get3A_224 : vector<16xf32>
      %add3A_226 = arith.addf %add3A_214, %add3A_225 : vector<16xf32>
      %mul3A_227 = arith.mulf %add3A_225, %add3A_225 : vector<16xf32>
      %add3A_228 = arith.addf %add3A_216, %mul3A_227 : vector<16xf32>
      %lt3A = arith.constant 0 : i32
      %lt3A_229 = vector.broadcast %lt3A : i32 to vector<16xi32>
      %lt3A_230 = arith.cmpi slt, %xor3A_114, %lt3A_229 : vector<16xi32>
      %add3A_231 = arith.constant 16 : i32
      %add3A_232 = vector.broadcast %add3A_231 : i32 to vector<16xi32>
      %add3A_233 = arith.addi %xor3A_114, %add3A_232 : vector<16xi32>
      %select_n3A = arith.select %lt3A_230, %add3A_233, %xor3A_114 : vector<16xi1>, vector<16xi32>
      %broadcast_in_dim3A_234 = vector.shape_cast %select_n3A : vector<16xi32> to vector<16x1xi32>
      %gather3A = vector.shape_cast %broadcast_in_dim3A_234 : vector<16x1xi32> to vector<16xi32>
      %gather3A_235 = tpu.dynamic_gather %add3A_226[%gather3A] in [0] : vector<16xf32>, vector<16xi32> -> vector<16xf32>
      %add3A_236 = arith.addf %add3A_226, %gather3A_235 : vector<16xf32>
      %lt3A_237 = arith.constant 0 : i32
      %lt3A_238 = vector.broadcast %lt3A_237 : i32 to vector<16xi32>
      %lt3A_239 = arith.cmpi slt, %xor3A_117, %lt3A_238 : vector<16xi32>
      %add3A_240 = arith.constant 16 : i32
      %add3A_241 = vector.broadcast %add3A_240 : i32 to vector<16xi32>
      %add3A_242 = arith.addi %xor3A_117, %add3A_241 : vector<16xi32>
      %select_n3A_243 = arith.select %lt3A_239, %add3A_242, %xor3A_117 : vector<16xi1>, vector<16xi32>
      %broadcast_in_dim3A_244 = vector.shape_cast %select_n3A_243 : vector<16xi32> to vector<16x1xi32>
      %gather3A_245 = vector.shape_cast %broadcast_in_dim3A_244 : vector<16x1xi32> to vector<16xi32>
      %gather3A_246 = tpu.dynamic_gather %add3A_236[%gather3A_245] in [0] : vector<16xf32>, vector<16xi32> -> vector<16xf32>
      %add3A_247 = arith.addf %add3A_236, %gather3A_246 : vector<16xf32>
      %lt3A_248 = arith.constant 0 : i32
      %lt3A_249 = vector.broadcast %lt3A_248 : i32 to vector<16xi32>
      %lt3A_250 = arith.cmpi slt, %xor3A_120, %lt3A_249 : vector<16xi32>
      %add3A_251 = arith.constant 16 : i32
      %add3A_252 = vector.broadcast %add3A_251 : i32 to vector<16xi32>
      %add3A_253 = arith.addi %xor3A_120, %add3A_252 : vector<16xi32>
      %select_n3A_254 = arith.select %lt3A_250, %add3A_253, %xor3A_120 : vector<16xi1>, vector<16xi32>
      %broadcast_in_dim3A_255 = vector.shape_cast %select_n3A_254 : vector<16xi32> to vector<16x1xi32>
      %gather3A_256 = vector.shape_cast %broadcast_in_dim3A_255 : vector<16x1xi32> to vector<16xi32>
      %gather3A_257 = tpu.dynamic_gather %add3A_247[%gather3A_256] in [0] : vector<16xf32>, vector<16xi32> -> vector<16xf32>
      %add3A_258 = arith.addf %add3A_247, %gather3A_257 : vector<16xf32>
      %lt3A_259 = arith.constant 0 : i32
      %lt3A_260 = vector.broadcast %lt3A_259 : i32 to vector<16xi32>
      %lt3A_261 = arith.cmpi slt, %xor3A_123, %lt3A_260 : vector<16xi32>
      %add3A_262 = arith.constant 16 : i32
      %add3A_263 = vector.broadcast %add3A_262 : i32 to vector<16xi32>
      %add3A_264 = arith.addi %xor3A_123, %add3A_263 : vector<16xi32>
      %select_n3A_265 = arith.select %lt3A_261, %add3A_264, %xor3A_123 : vector<16xi1>, vector<16xi32>
      %broadcast_in_dim3A_266 = vector.shape_cast %select_n3A_265 : vector<16xi32> to vector<16x1xi32>
      %gather3A_267 = vector.shape_cast %broadcast_in_dim3A_266 : vector<16x1xi32> to vector<16xi32>
      %gather3A_268 = tpu.dynamic_gather %add3A_258[%gather3A_267] in [0] : vector<16xf32>, vector<16xi32> -> vector<16xf32>
      %add3A_269 = arith.addf %add3A_258, %gather3A_268 : vector<16xf32>
      %mul3A_270 = arith.constant 7.812500e-03 : f32
      %mul3A_271 = vector.broadcast %mul3A_270 : f32 to vector<16xf32>
      %mul3A_272 = arith.mulf %add3A_269, %mul3A_271 : vector<16xf32>
      %lt3A_273 = arith.constant 0 : i32
      %lt3A_274 = vector.broadcast %lt3A_273 : i32 to vector<16xi32>
      %lt3A_275 = arith.cmpi slt, %xor3A_114, %lt3A_274 : vector<16xi32>
      %add3A_276 = arith.constant 16 : i32
      %add3A_277 = vector.broadcast %add3A_276 : i32 to vector<16xi32>
      %add3A_278 = arith.addi %xor3A_114, %add3A_277 : vector<16xi32>
      %select_n3A_279 = arith.select %lt3A_275, %add3A_278, %xor3A_114 : vector<16xi1>, vector<16xi32>
      %broadcast_in_dim3A_280 = vector.shape_cast %select_n3A_279 : vector<16xi32> to vector<16x1xi32>
      %gather3A_281 = vector.shape_cast %broadcast_in_dim3A_280 : vector<16x1xi32> to vector<16xi32>
      %gather3A_282 = tpu.dynamic_gather %add3A_228[%gather3A_281] in [0] : vector<16xf32>, vector<16xi32> -> vector<16xf32>
      %add3A_283 = arith.addf %add3A_228, %gather3A_282 : vector<16xf32>
      %lt3A_284 = arith.constant 0 : i32
      %lt3A_285 = vector.broadcast %lt3A_284 : i32 to vector<16xi32>
      %lt3A_286 = arith.cmpi slt, %xor3A_117, %lt3A_285 : vector<16xi32>
      %add3A_287 = arith.constant 16 : i32
      %add3A_288 = vector.broadcast %add3A_287 : i32 to vector<16xi32>
      %add3A_289 = arith.addi %xor3A_117, %add3A_288 : vector<16xi32>
      %select_n3A_290 = arith.select %lt3A_286, %add3A_289, %xor3A_117 : vector<16xi1>, vector<16xi32>
      %broadcast_in_dim3A_291 = vector.shape_cast %select_n3A_290 : vector<16xi32> to vector<16x1xi32>
      %gather3A_292 = vector.shape_cast %broadcast_in_dim3A_291 : vector<16x1xi32> to vector<16xi32>
      %gather3A_293 = tpu.dynamic_gather %add3A_283[%gather3A_292] in [0] : vector<16xf32>, vector<16xi32> -> vector<16xf32>
      %add3A_294 = arith.addf %add3A_283, %gather3A_293 : vector<16xf32>
      %lt3A_295 = arith.constant 0 : i32
      %lt3A_296 = vector.broadcast %lt3A_295 : i32 to vector<16xi32>
      %lt3A_297 = arith.cmpi slt, %xor3A_120, %lt3A_296 : vector<16xi32>
      %add3A_298 = arith.constant 16 : i32
      %add3A_299 = vector.broadcast %add3A_298 : i32 to vector<16xi32>
      %add3A_300 = arith.addi %xor3A_120, %add3A_299 : vector<16xi32>
      %select_n3A_301 = arith.select %lt3A_297, %add3A_300, %xor3A_120 : vector<16xi1>, vector<16xi32>
      %broadcast_in_dim3A_302 = vector.shape_cast %select_n3A_301 : vector<16xi32> to vector<16x1xi32>
      %gather3A_303 = vector.shape_cast %broadcast_in_dim3A_302 : vector<16x1xi32> to vector<16xi32>
      %gather3A_304 = tpu.dynamic_gather %add3A_294[%gather3A_303] in [0] : vector<16xf32>, vector<16xi32> -> vector<16xf32>
      %add3A_305 = arith.addf %add3A_294, %gather3A_304 : vector<16xf32>
      %lt3A_306 = arith.constant 0 : i32
      %lt3A_307 = vector.broadcast %lt3A_306 : i32 to vector<16xi32>
      %lt3A_308 = arith.cmpi slt, %xor3A_123, %lt3A_307 : vector<16xi32>
      %add3A_309 = arith.constant 16 : i32
      %add3A_310 = vector.broadcast %add3A_309 : i32 to vector<16xi32>
      %add3A_311 = arith.addi %xor3A_123, %add3A_310 : vector<16xi32>
      %select_n3A_312 = arith.select %lt3A_308, %add3A_311, %xor3A_123 : vector<16xi1>, vector<16xi32>
      %broadcast_in_dim3A_313 = vector.shape_cast %select_n3A_312 : vector<16xi32> to vector<16x1xi32>
      %gather3A_314 = vector.shape_cast %broadcast_in_dim3A_313 : vector<16x1xi32> to vector<16xi32>
      %gather3A_315 = tpu.dynamic_gather %add3A_305[%gather3A_314] in [0] : vector<16xf32>, vector<16xi32> -> vector<16xf32>
      %add3A_316 = arith.addf %add3A_305, %gather3A_315 : vector<16xf32>
      %mul3A_317 = arith.constant 7.812500e-03 : f32
      %mul3A_318 = vector.broadcast %mul3A_317 : f32 to vector<16xf32>
      %mul3A_319 = arith.mulf %add3A_316, %mul3A_318 : vector<16xf32>
      %mul3A_320 = arith.mulf %mul3A_272, %mul3A_272 : vector<16xf32>
      %sub3A = arith.subf %mul3A_319, %mul3A_320 : vector<16xf32>
      %add3A_321 = arith.constant 9.99999974E-6 : f32
      %add3A_322 = vector.broadcast %add3A_321 : f32 to vector<16xf32>
      %add3A_323 = arith.addf %sub3A, %add3A_322 : vector<16xf32>
      %bitcast_convert_type3A = tpu.bitcast %add3A_323 : vector<16xf32> -> vector<16xi32>
      %shift_right_logical3A = arith.constant 1 : i32
      %shift_right_logical3A_324 = vector.broadcast %shift_right_logical3A : i32 to vector<16xi32>
      %shift_right_logical3A_325 = arith.shrui %bitcast_convert_type3A, %shift_right_logical3A_324 : vector<16xi32>
      %sub3A_326 = arith.constant 1597463007 : i32
      %sub3A_327 = vector.broadcast %sub3A_326 : i32 to vector<16xi32>
      %sub3A_328 = arith.subi %sub3A_327, %shift_right_logical3A_325 : vector<16xi32>
      %bitcast_convert_type3A_329 = tpu.bitcast %sub3A_328 : vector<16xi32> -> vector<16xf32>
      %mul3A_330 = arith.constant 5.000000e-01 : f32
      %mul3A_331 = vector.broadcast %mul3A_330 : f32 to vector<16xf32>
      %mul3A_332 = arith.mulf %mul3A_331, %add3A_323 : vector<16xf32>
      %mul3A_333 = arith.mulf %mul3A_332, %bitcast_convert_type3A_329 : vector<16xf32>
      %mul3A_334 = arith.mulf %mul3A_333, %bitcast_convert_type3A_329 : vector<16xf32>
      %sub3A_335 = arith.constant 1.500000e+00 : f32
      %sub3A_336 = vector.broadcast %sub3A_335 : f32 to vector<16xf32>
      %sub3A_337 = arith.subf %sub3A_336, %mul3A_334 : vector<16xf32>
      %mul3A_338 = arith.mulf %bitcast_convert_type3A_329, %sub3A_337 : vector<16xf32>
      %mul3A_339 = arith.mulf %mul3A_332, %mul3A_338 : vector<16xf32>
      %mul3A_340 = arith.mulf %mul3A_339, %mul3A_338 : vector<16xf32>
      %sub3A_341 = arith.constant 1.500000e+00 : f32
      %sub3A_342 = vector.broadcast %sub3A_341 : f32 to vector<16xf32>
      %sub3A_343 = arith.subf %sub3A_342, %mul3A_340 : vector<16xf32>
      %mul3A_344 = arith.mulf %mul3A_338, %sub3A_343 : vector<16xf32>
      %mul3A_345 = arith.mulf %mul3A_332, %mul3A_344 : vector<16xf32>
      %mul3A_346 = arith.mulf %mul3A_345, %mul3A_344 : vector<16xf32>
      %sub3A_347 = arith.constant 1.500000e+00 : f32
      %sub3A_348 = vector.broadcast %sub3A_347 : f32 to vector<16xf32>
      %sub3A_349 = arith.subf %sub3A_348, %mul3A_346 : vector<16xf32>
      %mul3A_350 = arith.mulf %mul3A_344, %sub3A_349 : vector<16xf32>
      %sub3A_351 = arith.subf %add3A_141, %mul3A_272 : vector<16xf32>
      %mul3A_352 = arith.mulf %sub3A_351, %mul3A_350 : vector<16xf32>
      %mul3A_353 = arith.mulf %mul3A_352, %get3A_67 : vector<16xf32>
      %add3A_354 = arith.addf %mul3A_353, %get3A_91 : vector<16xf32>
      %swap3A = arith.index_cast %scan3A_129 : i32 to index
      %swap3A_355 = arith.constant 0 : index
      %swap3A_356 = tpu.vector_load %arg11[%swap3A, %swap3A_355] {strides = array<i32>} : memref<256x128xf32, #tpu.memory_space<vmem>>, vector<1x16xf32>,
      %swap3A_357 = vector.shape_cast %swap3A_356 : vector<1x16xf32> to vector<16xf32>
      %swap3A_358 = vector.shape_cast %add3A_354 : vector<16xf32> to vector<1x16xf32>
      tpu.vector_store %arg11[%swap3A, %swap3A_355], %swap3A_358 {strides = array<i32>} : memref<256x128xf32, #tpu.memory_space<vmem>>, vector<1x16xf32>,
      %sub3A_359 = arith.subf %add3A_153, %mul3A_272 : vector<16xf32>
      %mul3A_360 = arith.mulf %sub3A_359, %mul3A_350 : vector<16xf32>
      %mul3A_361 = arith.mulf %mul3A_360, %get3A_70 : vector<16xf32>
      %add3A_362 = arith.addf %mul3A_361, %get3A_94 : vector<16xf32>
      %swap3A_363 = arith.index_cast %scan3A_129 : i32 to index
      %swap3A_364 = arith.constant 16 : index
      %swap3A_365 = tpu.vector_load %arg11[%swap3A_363, %swap3A_364] {strides = array<i32>} : memref<256x128xf32, #tpu.memory_space<vmem>>, vector<1x16xf32>,
      %swap3A_366 = vector.shape_cast %swap3A_365 : vector<1x16xf32> to vector<16xf32>
      %swap3A_367 = vector.shape_cast %add3A_362 : vector<16xf32> to vector<1x16xf32>
      tpu.vector_store %arg11[%swap3A_363, %swap3A_364], %swap3A_367 {strides = array<i32>} : memref<256x128xf32, #tpu.memory_space<vmem>>, vector<1x16xf32>,
      %sub3A_368 = arith.subf %add3A_165, %mul3A_272 : vector<16xf32>
      %mul3A_369 = arith.mulf %sub3A_368, %mul3A_350 : vector<16xf32>
      %mul3A_370 = arith.mulf %mul3A_369, %get3A_73 : vector<16xf32>
      %add3A_371 = arith.addf %mul3A_370, %get3A_97 : vector<16xf32>
      %swap3A_372 = arith.index_cast %scan3A_129 : i32 to index
      %swap3A_373 = arith.constant 32 : index
      %swap3A_374 = tpu.vector_load %arg11[%swap3A_372, %swap3A_373] {strides = array<i32>} : memref<256x128xf32, #tpu.memory_space<vmem>>, vector<1x16xf32>,
      %swap3A_375 = vector.shape_cast %swap3A_374 : vector<1x16xf32> to vector<16xf32>
      %swap3A_376 = vector.shape_cast %add3A_371 : vector<16xf32> to vector<1x16xf32>
      tpu.vector_store %arg11[%swap3A_372, %swap3A_373], %swap3A_376 {strides = array<i32>} : memref<256x128xf32, #tpu.memory_space<vmem>>, vector<1x16xf32>,
      %sub3A_377 = arith.subf %add3A_177, %mul3A_272 : vector<16xf32>
      %mul3A_378 = arith.mulf %sub3A_377, %mul3A_350 : vector<16xf32>
      %mul3A_379 = arith.mulf %mul3A_378, %get3A_76 : vector<16xf32>
      %add3A_380 = arith.addf %mul3A_379, %get3A_100 : vector<16xf32>
      %swap3A_381 = arith.index_cast %scan3A_129 : i32 to index
      %swap3A_382 = arith.constant 48 : index
      %swap3A_383 = tpu.vector_load %arg11[%swap3A_381, %swap3A_382] {strides = array<i32>} : memref<256x128xf32, #tpu.memory_space<vmem>>, vector<1x16xf32>,
      %swap3A_384 = vector.shape_cast %swap3A_383 : vector<1x16xf32> to vector<16xf32>
      %swap3A_385 = vector.shape_cast %add3A_380 : vector<16xf32> to vector<1x16xf32>
      tpu.vector_store %arg11[%swap3A_381, %swap3A_382], %swap3A_385 {strides = array<i32>} : memref<256x128xf32, #tpu.memory_space<vmem>>, vector<1x16xf32>,
      %sub3A_386 = arith.subf %add3A_189, %mul3A_272 : vector<16xf32>
      %mul3A_387 = arith.mulf %sub3A_386, %mul3A_350 : vector<16xf32>
      %mul3A_388 = arith.mulf %mul3A_387, %get3A_79 : vector<16xf32>
      %add3A_389 = arith.addf %mul3A_388, %get3A_103 : vector<16xf32>
      %swap3A_390 = arith.index_cast %scan3A_129 : i32 to index
      %swap3A_391 = arith.constant 64 : index
      %swap3A_392 = tpu.vector_load %arg11[%swap3A_390, %swap3A_391] {strides = array<i32>} : memref<256x128xf32, #tpu.memory_space<vmem>>, vector<1x16xf32>,
      %swap3A_393 = vector.shape_cast %swap3A_392 : vector<1x16xf32> to vector<16xf32>
      %swap3A_394 = vector.shape_cast %add3A_389 : vector<16xf32> to vector<1x16xf32>
      tpu.vector_store %arg11[%swap3A_390, %swap3A_391], %swap3A_394 {strides = array<i32>} : memref<256x128xf32, #tpu.memory_space<vmem>>, vector<1x16xf32>,
      %sub3A_395 = arith.subf %add3A_201, %mul3A_272 : vector<16xf32>
      %mul3A_396 = arith.mulf %sub3A_395, %mul3A_350 : vector<16xf32>
      %mul3A_397 = arith.mulf %mul3A_396, %get3A_82 : vector<16xf32>
      %add3A_398 = arith.addf %mul3A_397, %get3A_106 : vector<16xf32>
      %swap3A_399 = arith.index_cast %scan3A_129 : i32 to index
      %swap3A_400 = arith.constant 80 : index
      %swap3A_401 = tpu.vector_load %arg11[%swap3A_399, %swap3A_400] {strides = array<i32>} : memref<256x128xf32, #tpu.memory_space<vmem>>, vector<1x16xf32>,
      %swap3A_402 = vector.shape_cast %swap3A_401 : vector<1x16xf32> to vector<16xf32>
      %swap3A_403 = vector.shape_cast %add3A_398 : vector<16xf32> to vector<1x16xf32>
      tpu.vector_store %arg11[%swap3A_399, %swap3A_400], %swap3A_403 {strides = array<i32>} : memref<256x128xf32, #tpu.memory_space<vmem>>, vector<1x16xf32>,
      %sub3A_404 = arith.subf %add3A_213, %mul3A_272 : vector<16xf32>
      %mul3A_405 = arith.mulf %sub3A_404, %mul3A_350 : vector<16xf32>
      %mul3A_406 = arith.mulf %mul3A_405, %get3A_85 : vector<16xf32>
      %add3A_407 = arith.addf %mul3A_406, %get3A_109 : vector<16xf32>
      %swap3A_408 = arith.index_cast %scan3A_129 : i32 to index
      %swap3A_409 = arith.constant 96 : index
      %swap3A_410 = tpu.vector_load %arg11[%swap3A_408, %swap3A_409] {strides = array<i32>} : memref<256x128xf32, #tpu.memory_space<vmem>>, vector<1x16xf32>,
      %swap3A_411 = vector.shape_cast %swap3A_410 : vector<1x16xf32> to vector<16xf32>
      %swap3A_412 = vector.shape_cast %add3A_407 : vector<16xf32> to vector<1x16xf32>
      tpu.vector_store %arg11[%swap3A_408, %swap3A_409], %swap3A_412 {strides = array<i32>} : memref<256x128xf32, #tpu.memory_space<vmem>>, vector<1x16xf32>,
      %sub3A_413 = arith.subf %add3A_225, %mul3A_272 : vector<16xf32>
      %mul3A_414 = arith.mulf %sub3A_413, %mul3A_350 : vector<16xf32>
      %mul3A_415 = arith.mulf %mul3A_414, %get3A_88 : vector<16xf32>
      %add3A_416 = arith.addf %mul3A_415, %get3A_112 : vector<16xf32>
      %swap3A_417 = arith.index_cast %scan3A_129 : i32 to index
      %swap3A_418 = arith.constant 112 : index
      %swap3A_419 = tpu.vector_load %arg11[%swap3A_417, %swap3A_418] {strides = array<i32>} : memref<256x128xf32, #tpu.memory_space<vmem>>, vector<1x16xf32>,
      %swap3A_420 = vector.shape_cast %swap3A_419 : vector<1x16xf32> to vector<16xf32>
      %swap3A_421 = vector.shape_cast %add3A_416 : vector<16xf32> to vector<1x16xf32>
      tpu.vector_store %arg11[%swap3A_417, %swap3A_418], %swap3A_421 {strides = array<i32>} : memref<256x128xf32, #tpu.memory_space<vmem>>, vector<1x16xf32>,
      %scan3A_422 = arith.constant 1 : i32
      %scan3A_423 = arith.addi %scan3A_129, %scan3A_422 : i32
      %broadcast_in_dim3A_424 = arith.constant 0.000000e+00 : f32
      %broadcast_in_dim3A_425 = vector.broadcast %broadcast_in_dim3A_424 : f32 to vector<16xf32>
      %broadcast_in_dim3A_426 = arith.constant 0.000000e+00 : f32
      %broadcast_in_dim3A_427 = vector.broadcast %broadcast_in_dim3A_426 : f32 to vector<16xf32>
      %get3A_428 = arith.index_cast %scan3A_423 : i32 to index
      %get3A_429 = arith.constant 0 : index
      %get3A_430 = tpu.vector_load %arg11[%get3A_428, %get3A_429] {strides = array<i32>} : memref<256x128xf32, #tpu.memory_space<vmem>>, vector<1x16xf32>,
      %get3A_431 = vector.shape_cast %get3A_430 : vector<1x16xf32> to vector<16xf32>
      %get3A_432 = arith.index_cast %scan3A_423 : i32 to index
      %get3A_433 = arith.constant 0 : index
      %get3A_434 = tpu.vector_load %arg12[%get3A_432, %get3A_433] {strides = array<i32>} : memref<256x128xf32, #tpu.memory_space<vmem>>, vector<1x16xf32>,
      %get3A_435 = vector.shape_cast %get3A_434 : vector<1x16xf32> to vector<16xf32>
      %add3A_436 = arith.addf %get3A_431, %get3A_435 : vector<16xf32>
      %add3A_437 = arith.addf %broadcast_in_dim3A_425, %add3A_436 : vector<16xf32>
      %mul3A_438 = arith.mulf %add3A_436, %add3A_436 : vector<16xf32>
      %add3A_439 = arith.addf %broadcast_in_dim3A_427, %mul3A_438 : vector<16xf32>
      %get3A_440 = arith.index_cast %scan3A_423 : i32 to index
      %get3A_441 = arith.constant 16 : index
      %get3A_442 = tpu.vector_load %arg11[%get3A_440, %get3A_441] {strides = array<i32>} : memref<256x128xf32, #tpu.memory_space<vmem>>, vector<1x16xf32>,
      %get3A_443 = vector.shape_cast %get3A_442 : vector<1x16xf32> to vector<16xf32>
      %get3A_444 = arith.index_cast %scan3A_423 : i32 to index
      %get3A_445 = arith.constant 16 : index
      %get3A_446 = tpu.vector_load %arg12[%get3A_444, %get3A_445] {strides = array<i32>} : memref<256x128xf32, #tpu.memory_space<vmem>>, vector<1x16xf32>,
      %get3A_447 = vector.shape_cast %get3A_446 : vector<1x16xf32> to vector<16xf32>
      %add3A_448 = arith.addf %get3A_443, %get3A_447 : vector<16xf32>
      %add3A_449 = arith.addf %add3A_437, %add3A_448 : vector<16xf32>
      %mul3A_450 = arith.mulf %add3A_448, %add3A_448 : vector<16xf32>
      %add3A_451 = arith.addf %add3A_439, %mul3A_450 : vector<16xf32>
      %get3A_452 = arith.index_cast %scan3A_423 : i32 to index
      %get3A_453 = arith.constant 32 : index
      %get3A_454 = tpu.vector_load %arg11[%get3A_452, %get3A_453] {strides = array<i32>} : memref<256x128xf32, #tpu.memory_space<vmem>>, vector<1x16xf32>,
      %get3A_455 = vector.shape_cast %get3A_454 : vector<1x16xf32> to vector<16xf32>
      %get3A_456 = arith.index_cast %scan3A_423 : i32 to index
      %get3A_457 = arith.constant 32 : index
      %get3A_458 = tpu.vector_load %arg12[%get3A_456, %get3A_457] {strides = array<i32>} : memref<256x128xf32, #tpu.memory_space<vmem>>, vector<1x16xf32>,
      %get3A_459 = vector.shape_cast %get3A_458 : vector<1x16xf32> to vector<16xf32>
      %add3A_460 = arith.addf %get3A_455, %get3A_459 : vector<16xf32>
      %add3A_461 = arith.addf %add3A_449, %add3A_460 : vector<16xf32>
      %mul3A_462 = arith.mulf %add3A_460, %add3A_460 : vector<16xf32>
      %add3A_463 = arith.addf %add3A_451, %mul3A_462 : vector<16xf32>
      %get3A_464 = arith.index_cast %scan3A_423 : i32 to index
      %get3A_465 = arith.constant 48 : index
      %get3A_466 = tpu.vector_load %arg11[%get3A_464, %get3A_465] {strides = array<i32>} : memref<256x128xf32, #tpu.memory_space<vmem>>, vector<1x16xf32>,
      %get3A_467 = vector.shape_cast %get3A_466 : vector<1x16xf32> to vector<16xf32>
      %get3A_468 = arith.index_cast %scan3A_423 : i32 to index
      %get3A_469 = arith.constant 48 : index
      %get3A_470 = tpu.vector_load %arg12[%get3A_468, %get3A_469] {strides = array<i32>} : memref<256x128xf32, #tpu.memory_space<vmem>>, vector<1x16xf32>,
      %get3A_471 = vector.shape_cast %get3A_470 : vector<1x16xf32> to vector<16xf32>
      %add3A_472 = arith.addf %get3A_467, %get3A_471 : vector<16xf32>
      %add3A_473 = arith.addf %add3A_461, %add3A_472 : vector<16xf32>
      %mul3A_474 = arith.mulf %add3A_472, %add3A_472 : vector<16xf32>
      %add3A_475 = arith.addf %add3A_463, %mul3A_474 : vector<16xf32>
      %get3A_476 = arith.index_cast %scan3A_423 : i32 to index
      %get3A_477 = arith.constant 64 : index
      %get3A_478 = tpu.vector_load %arg11[%get3A_476, %get3A_477] {strides = array<i32>} : memref<256x128xf32, #tpu.memory_space<vmem>>, vector<1x16xf32>,
      %get3A_479 = vector.shape_cast %get3A_478 : vector<1x16xf32> to vector<16xf32>
      %get3A_480 = arith.index_cast %scan3A_423 : i32 to index
      %get3A_481 = arith.constant 64 : index
      %get3A_482 = tpu.vector_load %arg12[%get3A_480, %get3A_481] {strides = array<i32>} : memref<256x128xf32, #tpu.memory_space<vmem>>, vector<1x16xf32>,
      %get3A_483 = vector.shape_cast %get3A_482 : vector<1x16xf32> to vector<16xf32>
      %add3A_484 = arith.addf %get3A_479, %get3A_483 : vector<16xf32>
      %add3A_485 = arith.addf %add3A_473, %add3A_484 : vector<16xf32>
      %mul3A_486 = arith.mulf %add3A_484, %add3A_484 : vector<16xf32>
      %add3A_487 = arith.addf %add3A_475, %mul3A_486 : vector<16xf32>
      %get3A_488 = arith.index_cast %scan3A_423 : i32 to index
      %get3A_489 = arith.constant 80 : index
      %get3A_490 = tpu.vector_load %arg11[%get3A_488, %get3A_489] {strides = array<i32>} : memref<256x128xf32, #tpu.memory_space<vmem>>, vector<1x16xf32>,
      %get3A_491 = vector.shape_cast %get3A_490 : vector<1x16xf32> to vector<16xf32>
      %get3A_492 = arith.index_cast %scan3A_423 : i32 to index
      %get3A_493 = arith.constant 80 : index
      %get3A_494 = tpu.vector_load %arg12[%get3A_492, %get3A_493] {strides = array<i32>} : memref<256x128xf32, #tpu.memory_space<vmem>>, vector<1x16xf32>,
      %get3A_495 = vector.shape_cast %get3A_494 : vector<1x16xf32> to vector<16xf32>
      %add3A_496 = arith.addf %get3A_491, %get3A_495 : vector<16xf32>
      %add3A_497 = arith.addf %add3A_485, %add3A_496 : vector<16xf32>
      %mul3A_498 = arith.mulf %add3A_496, %add3A_496 : vector<16xf32>
      %add3A_499 = arith.addf %add3A_487, %mul3A_498 : vector<16xf32>
      %get3A_500 = arith.index_cast %scan3A_423 : i32 to index
      %get3A_501 = arith.constant 96 : index
      %get3A_502 = tpu.vector_load %arg11[%get3A_500, %get3A_501] {strides = array<i32>} : memref<256x128xf32, #tpu.memory_space<vmem>>, vector<1x16xf32>,
      %get3A_503 = vector.shape_cast %get3A_502 : vector<1x16xf32> to vector<16xf32>
      %get3A_504 = arith.index_cast %scan3A_423 : i32 to index
      %get3A_505 = arith.constant 96 : index
      %get3A_506 = tpu.vector_load %arg12[%get3A_504, %get3A_505] {strides = array<i32>} : memref<256x128xf32, #tpu.memory_space<vmem>>, vector<1x16xf32>,
      %get3A_507 = vector.shape_cast %get3A_506 : vector<1x16xf32> to vector<16xf32>
      %add3A_508 = arith.addf %get3A_503, %get3A_507 : vector<16xf32>
      %add3A_509 = arith.addf %add3A_497, %add3A_508 : vector<16xf32>
      %mul3A_510 = arith.mulf %add3A_508, %add3A_508 : vector<16xf32>
      %add3A_511 = arith.addf %add3A_499, %mul3A_510 : vector<16xf32>
      %get3A_512 = arith.index_cast %scan3A_423 : i32 to index
      %get3A_513 = arith.constant 112 : index
      %get3A_514 = tpu.vector_load %arg11[%get3A_512, %get3A_513] {strides = array<i32>} : memref<256x128xf32, #tpu.memory_space<vmem>>, vector<1x16xf32>,
      %get3A_515 = vector.shape_cast %get3A_514 : vector<1x16xf32> to vector<16xf32>
      %get3A_516 = arith.index_cast %scan3A_423 : i32 to index
      %get3A_517 = arith.constant 112 : index
      %get3A_518 = tpu.vector_load %arg12[%get3A_516, %get3A_517] {strides = array<i32>} : memref<256x128xf32, #tpu.memory_space<vmem>>, vector<1x16xf32>,
      %get3A_519 = vector.shape_cast %get3A_518 : vector<1x16xf32> to vector<16xf32>
      %add3A_520 = arith.addf %get3A_515, %get3A_519 : vector<16xf32>
      %add3A_521 = arith.addf %add3A_509, %add3A_520 : vector<16xf32>
      %mul3A_522 = arith.mulf %add3A_520, %add3A_520 : vector<16xf32>
      %add3A_523 = arith.addf %add3A_511, %mul3A_522 : vector<16xf32>
      %lt3A_524 = arith.constant 0 : i32
      %lt3A_525 = vector.broadcast %lt3A_524 : i32 to vector<16xi32>
      %lt3A_526 = arith.cmpi slt, %xor3A_114, %lt3A_525 : vector<16xi32>
      %add3A_527 = arith.constant 16 : i32
      %add3A_528 = vector.broadcast %add3A_527 : i32 to vector<16xi32>
      %add3A_529 = arith.addi %xor3A_114, %add3A_528 : vector<16xi32>
      %select_n3A_530 = arith.select %lt3A_526, %add3A_529, %xor3A_114 : vector<16xi1>, vector<16xi32>
      %broadcast_in_dim3A_531 = vector.shape_cast %select_n3A_530 : vector<16xi32> to vector<16x1xi32>
      %gather3A_532 = vector.shape_cast %broadcast_in_dim3A_531 : vector<16x1xi32> to vector<16xi32>
      %gather3A_533 = tpu.dynamic_gather %add3A_521[%gather3A_532] in [0] : vector<16xf32>, vector<16xi32> -> vector<16xf32>
      %add3A_534 = arith.addf %add3A_521, %gather3A_533 : vector<16xf32>
      %lt3A_535 = arith.constant 0 : i32
      %lt3A_536 = vector.broadcast %lt3A_535 : i32 to vector<16xi32>
      %lt3A_537 = arith.cmpi slt, %xor3A_117, %lt3A_536 : vector<16xi32>
      %add3A_538 = arith.constant 16 : i32
      %add3A_539 = vector.broadcast %add3A_538 : i32 to vector<16xi32>
      %add3A_540 = arith.addi %xor3A_117, %add3A_539 : vector<16xi32>
      %select_n3A_541 = arith.select %lt3A_537, %add3A_540, %xor3A_117 : vector<16xi1>, vector<16xi32>
      %broadcast_in_dim3A_542 = vector.shape_cast %select_n3A_541 : vector<16xi32> to vector<16x1xi32>
      %gather3A_543 = vector.shape_cast %broadcast_in_dim3A_542 : vector<16x1xi32> to vector<16xi32>
      %gather3A_544 = tpu.dynamic_gather %add3A_534[%gather3A_543] in [0] : vector<16xf32>, vector<16xi32> -> vector<16xf32>
      %add3A_545 = arith.addf %add3A_534, %gather3A_544 : vector<16xf32>
      %lt3A_546 = arith.constant 0 : i32
      %lt3A_547 = vector.broadcast %lt3A_546 : i32 to vector<16xi32>
      %lt3A_548 = arith.cmpi slt, %xor3A_120, %lt3A_547 : vector<16xi32>
      %add3A_549 = arith.constant 16 : i32
      %add3A_550 = vector.broadcast %add3A_549 : i32 to vector<16xi32>
      %add3A_551 = arith.addi %xor3A_120, %add3A_550 : vector<16xi32>
      %select_n3A_552 = arith.select %lt3A_548, %add3A_551, %xor3A_120 : vector<16xi1>, vector<16xi32>
      %broadcast_in_dim3A_553 = vector.shape_cast %select_n3A_552 : vector<16xi32> to vector<16x1xi32>
      %gather3A_554 = vector.shape_cast %broadcast_in_dim3A_553 : vector<16x1xi32> to vector<16xi32>
      %gather3A_555 = tpu.dynamic_gather %add3A_545[%gather3A_554] in [0] : vector<16xf32>, vector<16xi32> -> vector<16xf32>
      %add3A_556 = arith.addf %add3A_545, %gather3A_555 : vector<16xf32>
      %lt3A_557 = arith.constant 0 : i32
      %lt3A_558 = vector.broadcast %lt3A_557 : i32 to vector<16xi32>
      %lt3A_559 = arith.cmpi slt, %xor3A_123, %lt3A_558 : vector<16xi32>
      %add3A_560 = arith.constant 16 : i32
      %add3A_561 = vector.broadcast %add3A_560 : i32 to vector<16xi32>
      %add3A_562 = arith.addi %xor3A_123, %add3A_561 : vector<16xi32>
      %select_n3A_563 = arith.select %lt3A_559, %add3A_562, %xor3A_123 : vector<16xi1>, vector<16xi32>
      %broadcast_in_dim3A_564 = vector.shape_cast %select_n3A_563 : vector<16xi32> to vector<16x1xi32>
      %gather3A_565 = vector.shape_cast %broadcast_in_dim3A_564 : vector<16x1xi32> to vector<16xi32>
      %gather3A_566 = tpu.dynamic_gather %add3A_556[%gather3A_565] in [0] : vector<16xf32>, vector<16xi32> -> vector<16xf32>
      %add3A_567 = arith.addf %add3A_556, %gather3A_566 : vector<16xf32>
      %mul3A_568 = arith.constant 7.812500e-03 : f32
      %mul3A_569 = vector.broadcast %mul3A_568 : f32 to vector<16xf32>
      %mul3A_570 = arith.mulf %add3A_567, %mul3A_569 : vector<16xf32>
      %lt3A_571 = arith.constant 0 : i32
      %lt3A_572 = vector.broadcast %lt3A_571 : i32 to vector<16xi32>
      %lt3A_573 = arith.cmpi slt, %xor3A_114, %lt3A_572 : vector<16xi32>
      %add3A_574 = arith.constant 16 : i32
      %add3A_575 = vector.broadcast %add3A_574 : i32 to vector<16xi32>
      %add3A_576 = arith.addi %xor3A_114, %add3A_575 : vector<16xi32>
      %select_n3A_577 = arith.select %lt3A_573, %add3A_576, %xor3A_114 : vector<16xi1>, vector<16xi32>
      %broadcast_in_dim3A_578 = vector.shape_cast %select_n3A_577 : vector<16xi32> to vector<16x1xi32>
      %gather3A_579 = vector.shape_cast %broadcast_in_dim3A_578 : vector<16x1xi32> to vector<16xi32>
      %gather3A_580 = tpu.dynamic_gather %add3A_523[%gather3A_579] in [0] : vector<16xf32>, vector<16xi32> -> vector<16xf32>
      %add3A_581 = arith.addf %add3A_523, %gather3A_580 : vector<16xf32>
      %lt3A_582 = arith.constant 0 : i32
      %lt3A_583 = vector.broadcast %lt3A_582 : i32 to vector<16xi32>
      %lt3A_584 = arith.cmpi slt, %xor3A_117, %lt3A_583 : vector<16xi32>
      %add3A_585 = arith.constant 16 : i32
      %add3A_586 = vector.broadcast %add3A_585 : i32 to vector<16xi32>
      %add3A_587 = arith.addi %xor3A_117, %add3A_586 : vector<16xi32>
      %select_n3A_588 = arith.select %lt3A_584, %add3A_587, %xor3A_117 : vector<16xi1>, vector<16xi32>
      %broadcast_in_dim3A_589 = vector.shape_cast %select_n3A_588 : vector<16xi32> to vector<16x1xi32>
      %gather3A_590 = vector.shape_cast %broadcast_in_dim3A_589 : vector<16x1xi32> to vector<16xi32>
      %gather3A_591 = tpu.dynamic_gather %add3A_581[%gather3A_590] in [0] : vector<16xf32>, vector<16xi32> -> vector<16xf32>
      %add3A_592 = arith.addf %add3A_581, %gather3A_591 : vector<16xf32>
      %lt3A_593 = arith.constant 0 : i32
      %lt3A_594 = vector.broadcast %lt3A_593 : i32 to vector<16xi32>
      %lt3A_595 = arith.cmpi slt, %xor3A_120, %lt3A_594 : vector<16xi32>
      %add3A_596 = arith.constant 16 : i32
      %add3A_597 = vector.broadcast %add3A_596 : i32 to vector<16xi32>
      %add3A_598 = arith.addi %xor3A_120, %add3A_597 : vector<16xi32>
      %select_n3A_599 = arith.select %lt3A_595, %add3A_598, %xor3A_120 : vector<16xi1>, vector<16xi32>
      %broadcast_in_dim3A_600 = vector.shape_cast %select_n3A_599 : vector<16xi32> to vector<16x1xi32>
      %gather3A_601 = vector.shape_cast %broadcast_in_dim3A_600 : vector<16x1xi32> to vector<16xi32>
      %gather3A_602 = tpu.dynamic_gather %add3A_592[%gather3A_601] in [0] : vector<16xf32>, vector<16xi32> -> vector<16xf32>
      %add3A_603 = arith.addf %add3A_592, %gather3A_602 : vector<16xf32>
      %lt3A_604 = arith.constant 0 : i32
      %lt3A_605 = vector.broadcast %lt3A_604 : i32 to vector<16xi32>
      %lt3A_606 = arith.cmpi slt, %xor3A_123, %lt3A_605 : vector<16xi32>
      %add3A_607 = arith.constant 16 : i32
      %add3A_608 = vector.broadcast %add3A_607 : i32 to vector<16xi32>
      %add3A_609 = arith.addi %xor3A_123, %add3A_608 : vector<16xi32>
      %select_n3A_610 = arith.select %lt3A_606, %add3A_609, %xor3A_123 : vector<16xi1>, vector<16xi32>
      %broadcast_in_dim3A_611 = vector.shape_cast %select_n3A_610 : vector<16xi32> to vector<16x1xi32>
      %gather3A_612 = vector.shape_cast %broadcast_in_dim3A_611 : vector<16x1xi32> to vector<16xi32>
      %gather3A_613 = tpu.dynamic_gather %add3A_603[%gather3A_612] in [0] : vector<16xf32>, vector<16xi32> -> vector<16xf32>
      %add3A_614 = arith.addf %add3A_603, %gather3A_613 : vector<16xf32>
      %mul3A_615 = arith.constant 7.812500e-03 : f32
      %mul3A_616 = vector.broadcast %mul3A_615 : f32 to vector<16xf32>
      %mul3A_617 = arith.mulf %add3A_614, %mul3A_616 : vector<16xf32>
      %mul3A_618 = arith.mulf %mul3A_570, %mul3A_570 : vector<16xf32>
      %sub3A_619 = arith.subf %mul3A_617, %mul3A_618 : vector<16xf32>
      %add3A_620 = arith.constant 9.99999974E-6 : f32
      %add3A_621 = vector.broadcast %add3A_620 : f32 to vector<16xf32>
      %add3A_622 = arith.addf %sub3A_619, %add3A_621 : vector<16xf32>
      %bitcast_convert_type3A_623 = tpu.bitcast %add3A_622 : vector<16xf32> -> vector<16xi32>
      %shift_right_logical3A_624 = arith.constant 1 : i32
      %shift_right_logical3A_625 = vector.broadcast %shift_right_logical3A_624 : i32 to vector<16xi32>
      %shift_right_logical3A_626 = arith.shrui %bitcast_convert_type3A_623, %shift_right_logical3A_625 : vector<16xi32>
      %sub3A_627 = arith.constant 1597463007 : i32
      %sub3A_628 = vector.broadcast %sub3A_627 : i32 to vector<16xi32>
      %sub3A_629 = arith.subi %sub3A_628, %shift_right_logical3A_626 : vector<16xi32>
      %bitcast_convert_type3A_630 = tpu.bitcast %sub3A_629 : vector<16xi32> -> vector<16xf32>
      %mul3A_631 = arith.constant 5.000000e-01 : f32
      %mul3A_632 = vector.broadcast %mul3A_631 : f32 to vector<16xf32>
      %mul3A_633 = arith.mulf %mul3A_632, %add3A_622 : vector<16xf32>
      %mul3A_634 = arith.mulf %mul3A_633, %bitcast_convert_type3A_630 : vector<16xf32>
      %mul3A_635 = arith.mulf %mul3A_634, %bitcast_convert_type3A_630 : vector<16xf32>
      %sub3A_636 = arith.constant 1.500000e+00 : f32
      %sub3A_637 = vector.broadcast %sub3A_636 : f32 to vector<16xf32>
      %sub3A_638 = arith.subf %sub3A_637, %mul3A_635 : vector<16xf32>
      %mul3A_639 = arith.mulf %bitcast_convert_type3A_630, %sub3A_638 : vector<16xf32>
      %mul3A_640 = arith.mulf %mul3A_633, %mul3A_639 : vector<16xf32>
      %mul3A_641 = arith.mulf %mul3A_640, %mul3A_639 : vector<16xf32>
      %sub3A_642 = arith.constant 1.500000e+00 : f32
      %sub3A_643 = vector.broadcast %sub3A_642 : f32 to vector<16xf32>
      %sub3A_644 = arith.subf %sub3A_643, %mul3A_641 : vector<16xf32>
      %mul3A_645 = arith.mulf %mul3A_639, %sub3A_644 : vector<16xf32>
      %mul3A_646 = arith.mulf %mul3A_633, %mul3A_645 : vector<16xf32>
      %mul3A_647 = arith.mulf %mul3A_646, %mul3A_645 : vector<16xf32>
      %sub3A_648 = arith.constant 1.500000e+00 : f32
      %sub3A_649 = vector.broadcast %sub3A_648 : f32 to vector<16xf32>
      %sub3A_650 = arith.subf %sub3A_649, %mul3A_647 : vector<16xf32>
      %mul3A_651 = arith.mulf %mul3A_645, %sub3A_650 : vector<16xf32>
      %sub3A_652 = arith.subf %add3A_436, %mul3A_570 : vector<16xf32>
      %mul3A_653 = arith.mulf %sub3A_652, %mul3A_651 : vector<16xf32>
      %mul3A_654 = arith.mulf %mul3A_653, %get3A_67 : vector<16xf32>
      %add3A_655 = arith.addf %mul3A_654, %get3A_91 : vector<16xf32>
      %swap3A_656 = arith.index_cast %scan3A_423 : i32 to index
      %swap3A_657 = arith.constant 0 : index
      %swap3A_658 = tpu.vector_load %arg11[%swap3A_656, %swap3A_657] {strides = array<i32>} : memref<256x128xf32, #tpu.memory_space<vmem>>, vector<1x16xf32>,
      %swap3A_659 = vector.shape_cast %swap3A_658 : vector<1x16xf32> to vector<16xf32>
      %swap3A_660 = vector.shape_cast %add3A_655 : vector<16xf32> to vector<1x16xf32>
      tpu.vector_store %arg11[%swap3A_656, %swap3A_657], %swap3A_660 {strides = array<i32>} : memref<256x128xf32, #tpu.memory_space<vmem>>, vector<1x16xf32>,
      %sub3A_661 = arith.subf %add3A_448, %mul3A_570 : vector<16xf32>
      %mul3A_662 = arith.mulf %sub3A_661, %mul3A_651 : vector<16xf32>
      %mul3A_663 = arith.mulf %mul3A_662, %get3A_70 : vector<16xf32>
      %add3A_664 = arith.addf %mul3A_663, %get3A_94 : vector<16xf32>
      %swap3A_665 = arith.index_cast %scan3A_423 : i32 to index
      %swap3A_666 = arith.constant 16 : index
      %swap3A_667 = tpu.vector_load %arg11[%swap3A_665, %swap3A_666] {strides = array<i32>} : memref<256x128xf32, #tpu.memory_space<vmem>>, vector<1x16xf32>,
      %swap3A_668 = vector.shape_cast %swap3A_667 : vector<1x16xf32> to vector<16xf32>
      %swap3A_669 = vector.shape_cast %add3A_664 : vector<16xf32> to vector<1x16xf32>
      tpu.vector_store %arg11[%swap3A_665, %swap3A_666], %swap3A_669 {strides = array<i32>} : memref<256x128xf32, #tpu.memory_space<vmem>>, vector<1x16xf32>,
      %sub3A_670 = arith.subf %add3A_460, %mul3A_570 : vector<16xf32>
      %mul3A_671 = arith.mulf %sub3A_670, %mul3A_651 : vector<16xf32>
      %mul3A_672 = arith.mulf %mul3A_671, %get3A_73 : vector<16xf32>
      %add3A_673 = arith.addf %mul3A_672, %get3A_97 : vector<16xf32>
      %swap3A_674 = arith.index_cast %scan3A_423 : i32 to index
      %swap3A_675 = arith.constant 32 : index
      %swap3A_676 = tpu.vector_load %arg11[%swap3A_674, %swap3A_675] {strides = array<i32>} : memref<256x128xf32, #tpu.memory_space<vmem>>, vector<1x16xf32>,
      %swap3A_677 = vector.shape_cast %swap3A_676 : vector<1x16xf32> to vector<16xf32>
      %swap3A_678 = vector.shape_cast %add3A_673 : vector<16xf32> to vector<1x16xf32>
      tpu.vector_store %arg11[%swap3A_674, %swap3A_675], %swap3A_678 {strides = array<i32>} : memref<256x128xf32, #tpu.memory_space<vmem>>, vector<1x16xf32>,
      %sub3A_679 = arith.subf %add3A_472, %mul3A_570 : vector<16xf32>
      %mul3A_680 = arith.mulf %sub3A_679, %mul3A_651 : vector<16xf32>
      %mul3A_681 = arith.mulf %mul3A_680, %get3A_76 : vector<16xf32>
      %add3A_682 = arith.addf %mul3A_681, %get3A_100 : vector<16xf32>
      %swap3A_683 = arith.index_cast %scan3A_423 : i32 to index
      %swap3A_684 = arith.constant 48 : index
      %swap3A_685 = tpu.vector_load %arg11[%swap3A_683, %swap3A_684] {strides = array<i32>} : memref<256x128xf32, #tpu.memory_space<vmem>>, vector<1x16xf32>,
      %swap3A_686 = vector.shape_cast %swap3A_685 : vector<1x16xf32> to vector<16xf32>
      %swap3A_687 = vector.shape_cast %add3A_682 : vector<16xf32> to vector<1x16xf32>
      tpu.vector_store %arg11[%swap3A_683, %swap3A_684], %swap3A_687 {strides = array<i32>} : memref<256x128xf32, #tpu.memory_space<vmem>>, vector<1x16xf32>,
      %sub3A_688 = arith.subf %add3A_484, %mul3A_570 : vector<16xf32>
      %mul3A_689 = arith.mulf %sub3A_688, %mul3A_651 : vector<16xf32>
      %mul3A_690 = arith.mulf %mul3A_689, %get3A_79 : vector<16xf32>
      %add3A_691 = arith.addf %mul3A_690, %get3A_103 : vector<16xf32>
      %swap3A_692 = arith.index_cast %scan3A_423 : i32 to index
      %swap3A_693 = arith.constant 64 : index
      %swap3A_694 = tpu.vector_load %arg11[%swap3A_692, %swap3A_693] {strides = array<i32>} : memref<256x128xf32, #tpu.memory_space<vmem>>, vector<1x16xf32>,
      %swap3A_695 = vector.shape_cast %swap3A_694 : vector<1x16xf32> to vector<16xf32>
      %swap3A_696 = vector.shape_cast %add3A_691 : vector<16xf32> to vector<1x16xf32>
      tpu.vector_store %arg11[%swap3A_692, %swap3A_693], %swap3A_696 {strides = array<i32>} : memref<256x128xf32, #tpu.memory_space<vmem>>, vector<1x16xf32>,
      %sub3A_697 = arith.subf %add3A_496, %mul3A_570 : vector<16xf32>
      %mul3A_698 = arith.mulf %sub3A_697, %mul3A_651 : vector<16xf32>
      %mul3A_699 = arith.mulf %mul3A_698, %get3A_82 : vector<16xf32>
      %add3A_700 = arith.addf %mul3A_699, %get3A_106 : vector<16xf32>
      %swap3A_701 = arith.index_cast %scan3A_423 : i32 to index
      %swap3A_702 = arith.constant 80 : index
      %swap3A_703 = tpu.vector_load %arg11[%swap3A_701, %swap3A_702] {strides = array<i32>} : memref<256x128xf32, #tpu.memory_space<vmem>>, vector<1x16xf32>,
      %swap3A_704 = vector.shape_cast %swap3A_703 : vector<1x16xf32> to vector<16xf32>
      %swap3A_705 = vector.shape_cast %add3A_700 : vector<16xf32> to vector<1x16xf32>
      tpu.vector_store %arg11[%swap3A_701, %swap3A_702], %swap3A_705 {strides = array<i32>} : memref<256x128xf32, #tpu.memory_space<vmem>>, vector<1x16xf32>,
      %sub3A_706 = arith.subf %add3A_508, %mul3A_570 : vector<16xf32>
      %mul3A_707 = arith.mulf %sub3A_706, %mul3A_651 : vector<16xf32>
      %mul3A_708 = arith.mulf %mul3A_707, %get3A_85 : vector<16xf32>
      %add3A_709 = arith.addf %mul3A_708, %get3A_109 : vector<16xf32>
      %swap3A_710 = arith.index_cast %scan3A_423 : i32 to index
      %swap3A_711 = arith.constant 96 : index
      %swap3A_712 = tpu.vector_load %arg11[%swap3A_710, %swap3A_711] {strides = array<i32>} : memref<256x128xf32, #tpu.memory_space<vmem>>, vector<1x16xf32>,
      %swap3A_713 = vector.shape_cast %swap3A_712 : vector<1x16xf32> to vector<16xf32>
      %swap3A_714 = vector.shape_cast %add3A_709 : vector<16xf32> to vector<1x16xf32>
      tpu.vector_store %arg11[%swap3A_710, %swap3A_711], %swap3A_714 {strides = array<i32>} : memref<256x128xf32, #tpu.memory_space<vmem>>, vector<1x16xf32>,
      %sub3A_715 = arith.subf %add3A_520, %mul3A_570 : vector<16xf32>
      %mul3A_716 = arith.mulf %sub3A_715, %mul3A_651 : vector<16xf32>
      %mul3A_717 = arith.mulf %mul3A_716, %get3A_88 : vector<16xf32>
      %add3A_718 = arith.addf %mul3A_717, %get3A_112 : vector<16xf32>
      %swap3A_719 = arith.index_cast %scan3A_423 : i32 to index
      %swap3A_720 = arith.constant 112 : index
      %swap3A_721 = tpu.vector_load %arg11[%swap3A_719, %swap3A_720] {strides = array<i32>} : memref<256x128xf32, #tpu.memory_space<vmem>>, vector<1x16xf32>,
      %swap3A_722 = vector.shape_cast %swap3A_721 : vector<1x16xf32> to vector<16xf32>
      %swap3A_723 = vector.shape_cast %add3A_718 : vector<16xf32> to vector<1x16xf32>
      tpu.vector_store %arg11[%swap3A_719, %swap3A_720], %swap3A_723 {strides = array<i32>} : memref<256x128xf32, #tpu.memory_space<vmem>>, vector<1x16xf32>,
    }
    %scan3A_128 = arith.constant 256 : i32
    "tpu.region"() ({
      %run_scoped3A = tpu.sem_alloc : memref<!tpu.dma_semaphore, #tpu.memory_space<semaphore_mem>>
      %dma_start3A_129 = arith.constant 0 : i32
      %dma_start3A_130 = tpu.memref_slice %arg8[%mul3A_2, %dma_start3A_129] : memref<8192x128xf32, #tpu.memory_space<hbm>> -> memref<256x128xf32, #tpu.memory_space<hbm>>
      %dma_start3A_131 = arith.constant 0 : i32
      %dma_start3A_132 = tpu.memref_slice %arg8[%mul3A_2, %dma_start3A_131] : memref<8192x128xf32, #tpu.memory_space<hbm>> -> memref<256x128xf32, #tpu.memory_space<hbm>>
      tpu.enqueue_dma source(%arg11 : memref<256x128xf32, #tpu.memory_space<vmem>>) target(%dma_start3A_132 : memref<256x128xf32, #tpu.memory_space<hbm>>) target_semaphore(%run_scoped3A : memref<!tpu.dma_semaphore, #tpu.memory_space<semaphore_mem>>)
      %dma_wait3A_133 = arith.constant 0 : i32
      %dma_wait3A_134 = tpu.memref_slice %arg8[%mul3A_2, %dma_wait3A_133] : memref<8192x128xf32, #tpu.memory_space<hbm>> -> memref<256x128xf32, #tpu.memory_space<hbm>>
      %dma_wait3A_135 = arith.constant 0 : i32
      %dma_wait3A_136 = tpu.memref_slice %arg8[%mul3A_2, %dma_wait3A_135] : memref<8192x128xf32, #tpu.memory_space<hbm>> -> memref<256x128xf32, #tpu.memory_space<hbm>>
      tpu.wait_dma2 semaphore(%run_scoped3A : memref<!tpu.dma_semaphore, #tpu.memory_space<semaphore_mem>>) src(%arg11 : memref<256x128xf32, #tpu.memory_space<vmem>>) dst(%dma_wait3A_136 : memref<256x128xf32, #tpu.memory_space<hbm>>)
      tpu.yield
    }) : () -> ()
    return
  }
}

</mosaic_0001>

<sc_bundles>
// kernel: kernel.3.cloned.1.call-start
scs
__scs_entry_jumppad:
0x0: {  	(pc) =	sbr.rel $0x88, $3  }
0x1: {  	(tag) =	ssettag $0x0;
	lr =	simm.s32 $0x1  }
0x2: {  	[smem:$0x3F9B] =	sst lr;
	_ =	strace $0xD0000000  }
0x3: {  	_ = 	snop  }
0x4: {  	_ = 	snop  }
0x5: {  	_ = 	snop  }
0x6: {  	_ = 	snop  }
0x7: {  	_ = 	snop  }
__scs_overlays_trampoline_lowered:
0x8: {  	[smem:$0x3FAA] =	sst s0  }
0x9: {  	[smem:$0x3FAB] =	sst s1  }
0xa: {  	[smem:$0x3FAC] =	sst s2  }
0xb: {  	[smem:$0x3FAD] =	sst s3  }
0xc: {  	[smem:$0x3FAE] =	sst s4  }
0xd: {  	[smem:$0x3FAF] =	sst s5  }
0xe: {  	[smem:$0x3FB0] =	sst s6  }
0xf: {  	[smem:$0x3FB1] =	sst s7  }
0x10: {  	[smem:$0x3FB2] =	sst s8  }
0x11: {  	[smem:$0x3FB3] =	sst s9;
	s0 =	simm.s32 @!p0 $0x0  }
0x12: {  	s1 =	sld [smem:$0x3F99];
	s0 =	simm.s32 @p0 $0x1  }
0x13: {  	[smem:$0x3FB4] =	sst s0;
	s0 =	simm.s32 @!p1 $0x0  }
0x14: {  	s2 =	sld [smem:$0x3F98];
	s0 =	simm.s32 @p1 $0x1  }
0x15: {  	[smem:$0x3FB5] =	sst s0;
	s0 =	simm.s32 @!p2 $0x0  }
0x16: {  	s3 =	sld [smem:$0x3FDB];
	s0 =	simm.s32 @p2 $0x1  }
0x17: {  	s4 =	simm.s32 $0x1BF5;
	[smem:$0x3FB7] =	sst s0  }
0x18: {  	s0 =	sld [smem:$0x3F9A];
	_ =	swait.ge [sflag:s4], $0x0  }
0x19: {  	s7 =	sld [smem:$0x3F9B]  }
0x1a: {  	s8 =	sadd.s32 $0xFFFFE003, lr  }
0x1b: {  	s9 =	sadd.s32 $0xFFFFFEF7, lr;
	s5 =	simm.s32 $0xFFFFFFFF;
	p2 =	slt.u32 s8, $0xFFFFF086  }
0x1c: {  	p1 =	slt.u32 s9, $0xF7A;
	s5 =	simm.s32 @!p2 $0x0  }
0x1d: {  	s5 =	simm.s32 @p1 $0x1;
	p0 =	seq.s32 s7, s2  }
0x1e: {  	s7 =	smul.u32 @!p0 $0xF7A, s2;
	p2 =	seq.s32 @!p0 s5, $0x0  }
0x1f: {  	s9 =	smul.u32 $0xF7A, s1;
	s8 =	simm.s32 @!p0 $0x1BF5;
	p2 =	por !p2, p0  }
0x20: {  	[sflag:s8] =	ssyncset.s32 @!p0 $0xFFFFF086;
	s6 =	sadd.s32 @!p0 s3, s7;
	s7 =	simm.s32 @!p0 $0x108  }
0x21: {  	s3 =	sadd.s32 s3, s9;
	s6 =	sadd.s32 @!p0 $0x88, s6;
	s7 =	simm.s32 @p2 $0x1082  }
0x22: {  	[simem:s7], [sflag:s8] =	dma.local @!p0 [hbm:s6], $0xF7A  }
0x23: {  	s9 =	sor.u32 $0xD0000000, s2;
	s6 =	simm.s32 $0x108;
	_ =	swait.ge @!p0 [sflag:s8], $0x0  }
0x24: {  	s3 =	sadd.s32 $0x88, s3;
	s6 =	simm.s32 @!p1 $0x1082;
	[sflag:s4] =	ssyncset.s32 $0xFFFFF086  }
0x25: {  	[simem:s6], [sflag:s4] =	dma.local [hbm:s3], $0xF7A  }
0x26: {  	[smem:$0x3F9B] =	sst s1;
	(tag) =	ssettag s2;
	_ =	strace s9  }
0x27: {  	s1 =	sld [smem:$0x3FAB]  }
0x28: {  	s2 =	sld [smem:$0x3FAC]  }
0x29: {  	s4 =	sld [smem:$0x3FAE]  }
0x2a: {  	p0 =	seq.s32 s5, $0x0;
	s5 =	sld [smem:$0x3FAF]  }
0x2b: {  	s6 =	sld [smem:$0x3FB0]  }
0x2c: {  	s7 =	sld [smem:$0x3FB1]  }
0x2d: {  	s3 =	simm.s32 $0x108;
	s8 =	sld [smem:$0x3FB2]  }
0x2e: {  	s3 =	simm.s32 @!p0 $0x1082;
	s9 =	sld [smem:$0x3FB3]  }
0x2f: {  	lr =	sadd.s32 s0, s3;
	s0 =	sld [smem:$0x3FAA]  }
0x30: {  	s3 =	sld [smem:$0x3FAD]  }
0x31: {  	[smem:$0x3FB6] =	sst s10  }
0x32: {  	s10 =	sld [smem:$0x3FB4];
	_ =	sdelay $0x3  }
0x33: {  	p0 =	seq.s32 s10, $0x1;
	s10 =	sld [smem:$0x3FB6];
	_ =	sdelay $0x3  }
0x34: {  	[smem:$0x3FB6] =	sst s10  }
0x35: {  	s10 =	sld [smem:$0x3FB5];
	_ =	sdelay $0x3  }
0x36: {  	p1 =	seq.s32 s10, $0x1;
	s10 =	sld [smem:$0x3FB6];
	_ =	sdelay $0x3  }
0x37: {  	[smem:$0x3FB6] =	sst s10  }
0x38: {  	s10 =	sld [smem:$0x3FB7]  }
0x39: {  	_ = 	snop;
	(pc) =	sbr.ind lr, $3  }
0x3a: {  	_ = 	snop  }
0x3b: {  	_ = 	snop  }
0x3c: {  	p2 =	seq.s32 s10, $0x1;
	s10 =	sld [smem:$0x3FB6]  }
0x3d: {  	_ =	shalt  }
0x3e: {  	_ =	shalt  }
0x3f: {  	_ =	shalt  }
0x40: {  	_ =	shalt  }
0x41: {  	_ =	shalt  }
0x42: {  	_ =	shalt  }
0x43: {  	_ =	shalt  }
0x44: {  	_ =	shalt  }
0x45: {  	_ =	shalt  }
0x46: {  	_ =	shalt  }
0x47: {  	_ =	shalt  }
0x48: {  	_ =	shalt  }
0x49: {  	_ =	shalt  }
0x4a: {  	_ =	shalt  }
0x4b: {  	_ =	shalt  }
0x4c: {  	_ =	shalt  }
0x4d: {  	_ =	shalt  }
0x4e: {  	_ =	shalt  }
0x4f: {  	_ =	shalt  }
0x50: {  	_ =	shalt  }
0x51: {  	_ =	shalt  }
0x52: {  	_ =	shalt  }
0x53: {  	_ =	shalt  }
0x54: {  	_ =	shalt  }
0x55: {  	_ =	shalt  }
0x56: {  	_ =	shalt  }
0x57: {  	_ =	shalt  }
0x58: {  	_ =	shalt  }
0x59: {  	_ =	shalt  }
0x5a: {  	_ =	shalt  }
0x5b: {  	_ =	shalt  }
0x5c: {  	_ =	shalt  }
0x5d: {  	_ =	shalt  }
0x5e: {  	_ =	shalt  }
0x5f: {  	_ =	shalt  }
0x60: {  	_ =	shalt  }
0x61: {  	_ =	shalt  }
0x62: {  	_ =	shalt  }
0x63: {  	_ =	shalt  }
0x64: {  	_ =	shalt  }
0x65: {  	_ =	shalt  }
0x66: {  	_ =	shalt  }
0x67: {  	_ =	shalt  }
0x68: {  	_ =	shalt  }
0x69: {  	_ =	shalt  }
0x6a: {  	_ =	shalt  }
0x6b: {  	_ =	shalt  }
0x6c: {  	_ =	shalt  }
0x6d: {  	_ =	shalt  }
0x6e: {  	_ =	shalt  }
0x6f: {  	_ =	shalt  }
0x70: {  	_ =	shalt  }
0x71: {  	_ =	shalt  }
0x72: {  	_ =	shalt  }
0x73: {  	_ =	shalt  }
0x74: {  	_ =	shalt  }
0x75: {  	_ =	shalt  }
0x76: {  	_ =	shalt  }
0x77: {  	_ =	shalt  }
0x78: {  	_ =	shalt  }
0x79: {  	_ =	shalt  }
0x7a: {  	_ =	shalt  }
0x7b: {  	_ =	shalt  }
0x7c: {  	_ =	shalt  }
0x7d: {  	_ =	shalt  }
0x7e: {  	_ =	shalt  }
0x7f: {  	_ =	shalt  }
0x80: {  	_ =	shalt  }
0x81: {  	_ =	shalt  }
0x82: {  	_ =	shalt  }
0x83: {  	_ =	shalt  }
0x84: {  	_ =	shalt  }
0x85: {  	_ =	shalt  }
0x86: {  	_ =	shalt  }
0x87: {  	_ =	shalt  }
.Lfunc_end0:
.L_simem_size_0:
called_computation_lowered:
.L_overlay_start_0:
0x88: {  	s2 =	sld [smem:$0x3FD9]  }
0x89: {  	s3 =	sld [smem:$0x3FFE];
	_ =	sdelay $0x1  }
0x8a: {  	s1 =	srdreg.scid  }
0x8b: {  	s0 =	sand.u32 $0x1, s1  }
0x8c: {  	s17 =	sshll.u32 s0, $0xA;
	s2 =	sadd.s32 s3, s2  }
0x8d: {  	s2 =	sadd.s32 s2, s17  }
0x8e: {  	[smem:$0x3FC2] =	sst s2  }
0x8f: {  	_ = 	snop  }
0x90: {  	s2 =	sld [smem:$0x3FC8]  }
0x91: {  	s18 =	sld [smem:$0x3FC7]  }
0x92: {  	s4 =	sld [smem:$0x3FC6]  }
0x93: {  	s5 =	sld [smem:$0x3FC5]  }
0x94: {  	s6 =	sld [smem:$0x3FC4]  }
0x95: {  	s7 =	sld [smem:$0x3FD0];
	(tm) =	ssettm $0x1  }
0x96: {  	s8 =	sld [smem:$0x3FFB];
	_ =	sdelay $0x3  }
0x97: {  	_ =	strace s8  }
0x98: {  	s8 =	sld [smem:$0x3FFC];
	_ =	sdelay $0x3  }
0x99: {  	_ =	strace s8  }
0x9a: {  	s8 =	sld [smem:$0x3FFD];
	_ =	sdelay $0x3  }
0x9b: {  	_ =	strace s8  }
0x9c: {  	_ =	strace $0x8FFFFFFF  }
0x9d: {  	s19 =	sld [smem:$0x3FDB];
	_ =	sdelay $0x1  }
0x9e: {  	s9 =	simm.s32 $_scs_section_size  }
0x9f: {  	s10 =	simm.s32 $_size__tile_overlayer_lowered;
	s11 =	simm.s32 $_tile_overlayer_lowered  }
0xa0: {  	s22 =	simm.s32 $0x1BFF;
	s21 =	sshll.u32 s11, $0x1;
	s8 =	sadd.s32 s9, s19  }
0xa1: {  	s12 =	simm.s32 $0x0;
	s20 =	sshll.u32 s10, $0x1;
	s10 =	sadd.s32 s21, s8  }
0xa2: {  	[timem:s12], [sflag:s22] =	dma.local [hbm:s10], s20  }
0xa3: {  	_ =	swait.ge [sflag:s22], s20  }
0xa4: {  	s9 =	ssub.s32 $0x0, s20;
	[sflag:s22] =	ssyncset.done $0x0  }
0xa5: {  	[sflag:s22] =	ssyncadd.s32 s9;
	_ =	sdelay $0x1  }
0xa6: {  	s23 =	simm.s32 $0x1B8B  }
0xa7: {  	_ =	swait.ge [sflag:s23], $0x1  }
0xa8: {  	[sflag:s23] =	ssyncset.done $0x0  }
0xa9: {  	s25 =	simm.s32 $0x1B8E;
	s24 =	sld [smem:$0x3FFE];
	[sflag:s23] =	ssyncadd.s32 $0xFFFFFFFF  }
0xaa: {  	s26 =	simm.s32 $execute0_lowered;
	[smem:$0x3FD2] =	sst s25  }
0xab: {  	s10 =	sshll.u32 s26, $0x1;
	_ =	strace $0x80000046;
	[dreg:$0x1] =	wrdreg $0xFFFFFFFF  }
0xac: {  	s28 =	simm.s32 $_size_execute0_lowered;
	s8 =	sadd.s32 s8, s10;
	[dreg:$0x0] =	wrdreg $0x0  }
0xad: {  	s10 =	sshll.u32 s28, $0x1;
	[dreg:$0x2] =	wrdreg s8  }
0xae: {  	[dreg:$0x3] =	wrdreg s10  }
0xaf: {  	[dreg:$0x4] =	wrdreg $0xC0  }
0xb0: {  	_ =	task [dreg:s12], $0x5FFFF  }
0xb1: {  	[dreg:$0x1] =	wrdreg $0xFFFFFFFF  }
0xb2: {  	[dreg:$0x0] =	wrdreg $0x60  }
0xb3: {  	[dreg:$0x2] =	wrdreg s24  }
0xb4: {  	[dreg:$0x3] =	wrdreg s2  }
0xb5: {  	[dreg:$0x4] =	wrdreg s18  }
0xb6: {  	[dreg:$0x5] =	wrdreg s4  }
0xb7: {  	[dreg:$0x6] =	wrdreg s5  }
0xb8: {  	[dreg:$0x7] =	wrdreg s6  }
0xb9: {  	[dreg:$0x8] =	wrdreg s7  }
0xba: {  	[dreg:$0x9] =	wrdreg $0x9  }
0xbb: {  	_ =	task.clear_ibuf [dreg:s12], $0xAFFFF;
	_ =	strace $0x90000046  }
0xbc: {  	s29 =	simm.s32 $0x9;
	_ =	strace $0x80000048  }
0xbd: {  	_ =	swait.ge [sflag:s29], $0x1  }
0xbe: {  	[sflag:s29] =	ssyncadd.s32 $0xFFFFFFFF  }
0xbf: {  	_ =	strace $0x90000048  }
0xc0: {  	_ =	sfence  }
0xc1: {  	s30 =	sld [smem:$0x0];
	_ =	sdelay $0x2  }
0xc2: {  	s31 =	sshll.u32 s1, $0xD;
	s1 =	sshrl.u32 s1, $0x2  }
0xc3: {  	s3 =	sand.u32 $0x4000, s31;
	s1 =	sadd.s32 s1, s30  }
0xc4: {  	s0 =	sor.u32 s3, s0;
	s1 =	sshll.u32 s1, $0x11  }
0xc5: {  	s0 =	sor.u32 s1, s0  }
0xc6: {  	s0 =	sadd.s32 $0x8F2B, s0  }
0xc7: {  	[sflag:s0] =	ssyncadd.remote.s32 $0x1  }
0xc8: {  	_ =	sfence.sel $0xFFFF  }
0xc9: {  	[dreg:$0x0] =	wrdreg $0xFFFFFFFF;
	(pc) =	sbr.abs _section_cstart, $3  }
0xca: {  	[dreg:$0x1] =	wrdreg $0xFFFFFFFF  }
0xcb: {  	_ =	task.clear_ibuf [dreg:s12], $0x2FFFF;
	_ =	strace $0x9FFFFFFF  }
0xcc: {  	(tm) =	ssettm $0x7FFFFFFF  }
0xcd: {  	_ =	shalt  }
tec
execute0_lowered:
.L_overlay_start_1:
0x0: {  	(tag) =	ssettag $0x1  }
0x1: {  	s7 =	rddreg [dreg:$0x0]  }
0x2: {  	s8 =	rddreg [dreg:$0x1]  }
0x3: {  	s0 =	rddreg [dreg:$0x2]  }
0x4: {  	s1 =	rddreg [dreg:$0x3]  }
0x5: {  	s2 =	rddreg [dreg:$0x4]  }
0x6: {  	v0 =	vimm.s32 $0xEFCDAB89;
	s3 =	rddreg [dreg:$0x5];
	s5 =	srdreg.scid;
	v1 =	vimm.s32 $0x67452301  }
0x7: {  	v2 =	vimm.s32 $0xDCFE98BA;
	s9 =	rddreg [dreg:$0x6];
	s4 =	stileid.u32;
	s6 =	simm.s32 $0x0;
	v3 =	vimm.s32 $0x54761032;
	v4 =	vimm.s32 $0xBA98FEDC  }
0x8: {  	v5 =	vimm.s32 $0x32107654;
	v6 =	vimm.s32 $0xFEDCBA98;
	s14 =	simm.s32 $0x10280;
	s15 =	simm.s32 $0x80;
	s16 =	simm.s32 $0x200  }
0x9: {  	v7 =	vimm.s32 $0x76543210;
	s17 =	simm.s32 $0x8200;
	s18 =	simm.s32 $0x4200;
	s19 =	simm.s32 $0x180;
	v0 =	vunpack.c.l.s4.s8 v0;
	v1 =	vunpack.c.l.s4.s8 v1  }
0xa: {  	s20 =	simm.s32 $0xC200;
	s21 =	simm.s32 $0x1;
	s22 =	simm.s32 $0x0;
	v2 =	vunpack.c.l.s4.s8 v2;
	v3 =	vunpack.c.l.s4.s8 v3;
	v4 =	vunpack.c.l.s4.s8 v4  }
0xb: {  	s10 =	sand.u32 $0x1, s5;
	s5 =	rddreg [dreg:$0x7];
	s11 =	sshll.u32 s4, $0x9;
	v5 =	vunpack.c.l.s4.s8 v5;
	v6 =	vunpack.c.l.s4.s8 v6;
	v7 =	vunpack.c.l.s4.s8 v7  }
0xc: {  	[smem:$0x7FF] =	sst s6;
	s12 =	sshll.u32 s10, $0x8;
	s10 =	ssub.s32 $0x2, s10;
	v0 =	vunpack.c.0.s8.s32 v0;
	v1 =	vunpack.c.0.s8.s32 v1;
	v2 =	vunpack.c.0.s8.s32 v2  }
0xd: {  	_ =	strace $0x80000047;
	s11 =	sor.u32 s12, s11;
	s13 =	sshrl.u32 s10, $0x1;
	v3 =	vunpack.c.0.s8.s32 v3;
	v4 =	vunpack.c.0.s8.s32 v4;
	v5 =	vunpack.c.0.s8.s32 v5  }
0xe: {  	s12 =	sshrl.u32 s11, $0x3;
	s10 =	ssub.s32 s10, s13;
	s11 =	sshll.u32 s11, $0x4;
	v0 =	vcombine.low v1, v0;
	v1 =	vunpack.c.0.s8.s32 v6  }
0xf: {  	s13 =	simm.s32 $0x10200;
	s7 =	sadd.s32 s12, s7;
	s12 =	sand.u32 $0xE0, s12;
	v2 =	vcombine.low v3, v2;
	v3 =	vcombine.low v5, v4;
	v4 =	vunpack.c.0.s8.s32 v7  }
0x10: {  	s9 =	sadd.s32 s9, s11;
	s10 =	smax.u32 s10, $0x1;
	s11 =	simm.s32 $0x2;
	v0 =	vand.u32 $0xF, v0;
	v5 =	vand.u32 $0xF, v1  }
0x11: {  	s7 =	sadd.s32 $0x400, s7;
	s8 =	sadd.s32 s8, s12;
	s12 =	simm.s32 $0x100;
	v1 =	vand.u32 $0xF, v2;
	v2 =	vand.u32 $0xF, v3;
	v3 =	vcombine.low v5, v4  }
.LBB2_1:
0x12: {  	[tilespmem:s6], [sflag:$0x2] =	stream.linear.gather [hbm4b:s7+s6], $0x100, $0x38;
	[tilespmem:$0x10300] =	vst v63  }
0x13: {  	_ =	swait.ge [sflag:s11], $0x100  }
0x14: {  	[sflag:s11] =	ssyncset.done $0x0  }
0x15: {  	[sflag:s11] =	ssyncadd.s32 $0xFFFFFF00  }
0x16: {  	[tilespmem:s12], [sflag:$0x2] =	stream.linear.gather [hbm4b:s8+s6], $0x100, $0x38;
	[tilespmem:$0x10300] =	vst v63  }
0x17: {  	_ =	swait.ge [sflag:s11], $0x100  }
0x18: {  	[sflag:s11] =	ssyncset.done $0x0  }
0x19: {  	[sflag:s11] =	ssyncadd.s32 $0xFFFFFF00  }
0x1a: {  	[tilespmem:s13], [sflag:$0x2] =	stream.linear.gather [hbm4b:s2+s6], $0x80, $0x38;
	[tilespmem:$0x10300] =	vst v63  }
0x1b: {  	_ =	swait.ge [sflag:s11], $0x80  }
0x1c: {  	[sflag:s11] =	ssyncset.done $0x0  }
0x1d: {  	[sflag:s11] =	ssyncadd.s32 $0xFFFFFF80  }
0x1e: {  	[tilespmem:s14], [sflag:$0x2] =	stream.linear.gather [hbm4b:s3+s6], $0x80, $0x38;
	[tilespmem:$0x10300] =	vst v63  }
0x1f: {  	_ =	swait.ge [sflag:s11], $0x80  }
0x20: {  	[sflag:s11] =	ssyncset.done $0x0  }
0x21: {  	[sflag:s11] =	ssyncadd.s32 $0xFFFFFF80  }
0x22: {  	[tilespmem:s16], [sflag:$0x1] =	stream.indirect.gather [hbm4b:s0+s15], $0x80, s6, s15, $0xb8;
	[tilespmem:$0x10300] =	vst v63  }
0x23: {  	_ = 	snop  }
0x24: {  	[tilespmem:s17], [sflag:$0x1] =	stream.indirect.gather [hbm4b:s1+s15], $0x80, s12, s15, $0xb8;
	[tilespmem:$0x10300] =	vst v63  }
0x25: {  	_ = 	snop  }
0x26: {  	[tilespmem:s18], [sflag:$0x1] =	stream.indirect.gather [hbm4b:s0+s15], $0x80, s15, s15, $0xb8;
	[tilespmem:$0x10300] =	vst v63  }
0x27: {  	_ = 	snop  }
0x28: {  	[tilespmem:s20], [sflag:$0x1] =	stream.indirect.gather [hbm4b:s1+s15], $0x80, s19, s15, $0xb8;
	[tilespmem:$0x10300] =	vst v63  }
0x29: {  	_ =	swait.ge [sflag:s21], $0x4000  }
0x2a: {  	[sflag:s21] =	ssyncset.done $0x0  }
0x2b: {  	[sflag:s21] =	ssyncadd.s32 $0xFFFFC000  }
0x2c: {  	_ =	swait.ge [sflag:s21], $0x4000  }
0x2d: {  	[sflag:s21] =	ssyncset.done $0x0  }
0x2e: {  	[sflag:s21] =	ssyncadd.s32 $0xFFFFC000  }
0x2f: {  	_ =	swait.ge [sflag:s21], $0x4000  }
0x30: {  	[sflag:s21] =	ssyncset.done $0x0  }
0x31: {  	[sflag:s21] =	ssyncadd.s32 $0xFFFFC000  }
0x32: {  	_ =	swait.ge [sflag:s21], $0x4000  }
0x33: {  	[sflag:s21] =	ssyncset.done $0x0  }
0x34: {  	s23 =	simm.s32 $0x280;
	[sflag:s21] =	ssyncadd.s32 $0xFFFFC000  }
0x35: {  	v4 =	vld [tilespmem:s23+$0xFFFFFF90]  }
0x36: {  	s24 =	simm.s32 $0x8280;
	v5 =	vld [tilespmem:s23+$0xFFFFFF80]  }
0x37: {  	v6 =	vld [tilespmem:s24+$0xFFFFFF80]  }
0x38: {  	v7 =	vld [tilespmem:s24+$0xFFFFFF90]  }
0x39: {  	v8 =	vld [tilespmem:s24+$0xFFFFFFA0]  }
0x3a: {  	v9 =	vld [tilespmem:s23+$0xFFFFFFA0]  }
0x3b: {  	v10 =	vld [tilespmem:s23+$0xFFFFFFB0]  }
0x3c: {  	v16 =	vadd.f32 v6, v5;
	v5 =	vld [tilespmem:s24+$0xFFFFFFB0]  }
0x3d: {  	v17 =	vadd.f32 v7, v4;
	v4 =	vld [tilespmem:s23+$0xFFFFFFC0]  }
0x3e: {  	v7 =	vld [tilespmem:s24+$0xFFFFFFC0];
	_ =	sdelay $0x1  }
0x3f: {  	v11 =	vld [tilespmem:s23+$0xFFFFFFD0];
	v6 =	vadd.f32 $0.0e+00, v16;
	v12 =	vmul.f32 v16, v16;
	v13 =	vmul.f32 v17, v17  }
0x40: {  	v8 =	vadd.f32 v8, v9;
	v9 =	vld [tilespmem:s24+$0xFFFFFFD0]  }
0x41: {  	v6 =	vadd.f32 v17, v6;
	v12 =	vadd.f32 v13, v12  }
0x42: {  	v13 =	vmul.f32 v8, v8;
	v18 =	vadd.f32 v5, v10;
	v19 =	vadd.f32 v7, v4;
	v4 =	vld [tilespmem:s23+$0xFFFFFFE0]  }
0x43: {  	v7 =	vld [tilespmem:s23+$0xFFFFFFF0];
	v5 =	vadd.f32 v8, v6  }
0x44: {  	v6 =	vld [tilespmem:s24+$0xFFFFFFE0];
	v10 =	vadd.f32 v13, v12;
	v12 =	vmul.f32 v18, v18  }
0x45: {  	v20 =	vadd.f32 v9, v11;
	v11 =	vld [tilespmem:s24+$0xFFFFFFF0];
	v5 =	vadd.f32 v18, v5  }
0x46: {  	v9 =	vadd.f32 v12, v10;
	v10 =	vmul.f32 v19, v19  }
0x47: {  	v5 =	vadd.f32 v19, v5  }
0x48: {  	v9 =	vadd.f32 v10, v9  }
0x49: {  	v10 =	vmul.f32 v20, v20;
	v21 =	vadd.f32 v6, v4;
	v5 =	vadd.f32 v20, v5  }
0x4a: {  	v22 =	vadd.f32 v11, v7  }
0x4b: {  	v4 =	vadd.f32 v10, v9;
	v6 =	vmul.f32 v21, v21;
	v5 =	vadd.f32 v21, v5;
	_ =	sdelay $0x1  }
0x4c: {  	v4 =	vadd.f32 v6, v4;
	v6 =	vmul.f32 v22, v22;
	v5 =	vadd.f32 v22, v5;
	_ =	sdelay $0x1  }
0x4d: {  	v4 =	vadd.f32 v6, v4;
	v6 =	vperm.xlane v5, v0;
	_ =	sdelay $0x1  }
0x4e: {  	v5 =	vadd.f32 v5, v6;
	v6 =	vperm.xlane v4, v0;
	_ =	sdelay $0x1  }
0x4f: {  	v7 =	vperm.xlane v5, v1;
	v4 =	vadd.f32 v6, v4;
	_ =	sdelay $0x1  }
0x50: {  	v5 =	vadd.f32 v5, v7;
	v6 =	vperm.xlane v4, v1;
	_ =	sdelay $0x1  }
0x51: {  	v7 =	vperm.xlane v5, v2;
	v4 =	vadd.f32 v6, v4;
	_ =	sdelay $0x1  }
0x52: {  	v5 =	vadd.f32 v5, v7;
	v6 =	vperm.xlane v4, v2;
	_ =	sdelay $0x1  }
0x53: {  	v7 =	vperm.xlane v5, v3;
	v4 =	vadd.f32 v6, v4;
	_ =	sdelay $0x1  }
0x54: {  	v5 =	vadd.f32 v5, v7;
	v6 =	vperm.xlane v4, v3;
	_ =	sdelay $0x1  }
0x55: {  	v23 =	vmul.f32 $7.812500000e-03, v5;
	v4 =	vadd.f32 v6, v4;
	_ =	sdelay $0x1  }
0x56: {  	v4 =	vmul.f32 $7.812500000e-03, v4;
	v5 =	vmul.f32 v23, v23;
	_ =	sdelay $0x1  }
0x57: {  	v4 =	vsub.f32 v4, v5;
	_ =	sdelay $0x1  }
0x58: {  	v4 =	vadd.f32 $9.999999740e-06, v4;
	_ =	sdelay $0x1  }
0x59: {  	v5 =	vshrl.u32 v4, $0x1;
	v6 =	vmul.f32 $5.000000000e-01, v4  }
0x5a: {  	v4 =	vsub.s32 $0x5F3759DF, v5  }
0x5b: {  	v5 =	vmul.f32 v4, v6;
	_ =	sdelay $0x1  }
0x5c: {  	v5 =	vmul.f32 v4, v5;
	_ =	sdelay $0x1  }
0x5d: {  	v5 =	vsub.f32 $1.500000000e+00, v5;
	_ =	sdelay $0x1  }
0x5e: {  	v4 =	vmul.f32 v4, v5;
	_ =	sdelay $0x1  }
0x5f: {  	v5 =	vmul.f32 v4, v6;
	_ =	sdelay $0x1  }
0x60: {  	v5 =	vmul.f32 v5, v4;
	_ =	sdelay $0x1  }
0x61: {  	v5 =	vsub.f32 $1.500000000e+00, v5;
	_ =	sdelay $0x1  }
0x62: {  	v7 =	vmul.f32 v5, v4  }
0x63: {  	v14 =	vld [tilespmem:$0x10260]  }
0x64: {  	v15 =	vld [tilespmem:$0x10280];
	v6 =	vmul.f32 v7, v6  }
0x65: {  	v13 =	vld [tilespmem:$0x10250]  }
0x66: {  	v10 =	vld [tilespmem:$0x10200];
	v6 =	vmul.f32 v6, v7  }
0x67: {  	v9 =	vld [tilespmem:$0x10240]  }
0x68: {  	v25 =	vsub.f32 v16, v23;
	v16 =	vld [tilespmem:$0x102D0];
	v11 =	vsub.f32 $1.500000000e+00, v6  }
0x69: {  	v18 =	vsub.f32 v18, v23;
	v5 =	vld [tilespmem:$0x10230]  }
0x6a: {  	v19 =	vsub.f32 v19, v23;
	v26 =	vsub.f32 v8, v23;
	v4 =	vld [tilespmem:$0x10220];
	v24 =	vmul.f32 v11, v7  }
0x6b: {  	v22 =	vsub.f32 v22, v23;
	v20 =	vsub.f32 v20, v23;
	v7 =	vld [tilespmem:$0x102B0]  }
0x6c: {  	v21 =	vsub.f32 v21, v23;
	v11 =	vld [tilespmem:$0x102C0];
	v18 =	vmul.f32 v24, v18;
	v19 =	vmul.f32 v24, v19  }
0x6d: {  	v23 =	vsub.f32 v17, v23;
	v6 =	vld [tilespmem:$0x10270];
	v26 =	vmul.f32 v24, v26;
	v20 =	vmul.f32 v24, v20  }
0x6e: {  	v8 =	vld [tilespmem:$0x102A0];
	v21 =	vmul.f32 v24, v21;
	v27 =	vmul.f32 v18, v5  }
0x6f: {  	v17 =	vld [tilespmem:$0x102F0];
	v23 =	vmul.f32 v24, v23;
	v28 =	vmul.f32 v19, v9  }
0x70: {  	v12 =	vld [tilespmem:$0x10210];
	v22 =	vmul.f32 v24, v22;
	v20 =	vmul.f32 v20, v13;
	v27 =	vadd.f32 v27, v7  }
0x71: {  	v24 =	vmul.f32 v24, v25;
	v18 =	vld [tilespmem:$0x102E0];
	v26 =	vmul.f32 v26, v4;
	v28 =	vadd.f32 v28, v11  }
0x72: {  	v19 =	vld [tilespmem:$0x10290];
	v22 =	vmul.f32 v22, v6;
	v20 =	vadd.f32 v20, v16;
	[tilespmem:s23+$0xFFFFFFB0] =	vst v27  }
0x73: {  	v24 =	vmul.f32 v24, v10;
	v26 =	vadd.f32 v26, v8;
	[tilespmem:s23+$0xFFFFFFC0] =	vst v28  }
0x74: {  	v21 =	vmul.f32 v21, v14;
	[tilespmem:s23+$0xFFFFFFD0] =	vst v20;
	v20 =	vadd.f32 v22, v17  }
0x75: {  	v23 =	vmul.f32 v23, v12;
	[tilespmem:s23+$0xFFFFFFA0] =	vst v26;
	v22 =	vadd.f32 v24, v15  }
0x76: {  	v21 =	vadd.f32 v21, v18;
	[tilespmem:s23+$0xFFFFFFF0] =	vst v20  }
0x77: {  	v23 =	vadd.f32 v23, v19;
	[tilespmem:s23+$0xFFFFFF80] =	vst v22  }
0x78: {  	v20 =	vld [tilespmem:s23+$0x0];
	[tilespmem:s23+$0xFFFFFFE0] =	vst v21  }
0x79: {  	[tilespmem:s23+$0xFFFFFF90] =	vst v23;
	v23 =	vld [tilespmem:s23+$0x10]  }
0x7a: {  	v22 =	vld [tilespmem:s24+$0x0]  }
0x7b: {  	v24 =	vld [tilespmem:s24+$0x10]  }
0x7c: {  	v21 =	vld [tilespmem:s23+$0x20]  }
0x7d: {  	v25 =	vld [tilespmem:s24+$0x20]  }
0x7e: {  	v26 =	vld [tilespmem:s24+$0x30]  }
0x7f: {  	v20 =	vadd.f32 v22, v20;
	v22 =	vld [tilespmem:s23+$0x30]  }
0x80: {  	v28 =	vld [tilespmem:s23+$0x40];
	v24 =	vadd.f32 v24, v23  }
0x81: {  	v27 =	vld [tilespmem:s24+$0x40];
	v23 =	vadd.f32 $0.0e+00, v20  }
0x82: {  	v31 =	vld [tilespmem:s24+$0x50];
	v21 =	vadd.f32 v25, v21;
	v29 =	vmul.f32 v20, v20;
	v30 =	vmul.f32 v24, v24  }
0x83: {  	v25 =	vld [tilespmem:s23+$0x50];
	v23 =	vadd.f32 v24, v23  }
0x84: {  	v29 =	vadd.f32 v30, v29;
	v30 =	vmul.f32 v21, v21;
	v22 =	vadd.f32 v26, v22  }
0x85: {  	v32 =	vld [tilespmem:s24+$0x60];
	v23 =	vadd.f32 v21, v23  }
0x86: {  	v27 =	vadd.f32 v27, v28;
	v26 =	vld [tilespmem:s23+$0x60];
	v29 =	vadd.f32 v30, v29;
	v30 =	vmul.f32 v22, v22  }
0x87: {  	v33 =	vld [tilespmem:s24+$0x70];
	v23 =	vadd.f32 v22, v23  }
0x88: {  	v28 =	vld [tilespmem:s23+$0x70];
	v31 =	vadd.f32 v31, v25;
	v29 =	vadd.f32 v30, v29;
	v30 =	vmul.f32 v27, v27  }
0x89: {  	v23 =	vadd.f32 v27, v23  }
0x8a: {  	v25 =	vadd.f32 v30, v29;
	v29 =	vmul.f32 v31, v31  }
0x8b: {  	v30 =	vadd.f32 v32, v26;
	v23 =	vadd.f32 v31, v23  }
0x8c: {  	v25 =	vadd.f32 v29, v25  }
0x8d: {  	v26 =	vmul.f32 v30, v30;
	v29 =	vadd.f32 v33, v28;
	v23 =	vadd.f32 v30, v23;
	_ =	sdelay $0x1  }
0x8e: {  	v25 =	vadd.f32 v26, v25;
	v26 =	vmul.f32 v29, v29;
	v23 =	vadd.f32 v29, v23;
	_ =	sdelay $0x1  }
0x8f: {  	v25 =	vadd.f32 v26, v25;
	v26 =	vperm.xlane v23, v0;
	_ =	sdelay $0x1  }
0x90: {  	v28 =	vperm.xlane v25, v0;
	v23 =	vadd.f32 v23, v26;
	_ =	sdelay $0x1  }
0x91: {  	v25 =	vadd.f32 v28, v25;
	v26 =	vperm.xlane v23, v1;
	_ =	sdelay $0x1  }
0x92: {  	v28 =	vperm.xlane v25, v1;
	v23 =	vadd.f32 v23, v26;
	_ =	sdelay $0x1  }
0x93: {  	v25 =	vadd.f32 v28, v25;
	v26 =	vperm.xlane v23, v2;
	_ =	sdelay $0x1  }
0x94: {  	v28 =	vperm.xlane v25, v2;
	v23 =	vadd.f32 v23, v26;
	_ =	sdelay $0x1  }
0x95: {  	v25 =	vadd.f32 v28, v25;
	v26 =	vperm.xlane v23, v3;
	_ =	sdelay $0x1  }
0x96: {  	v28 =	vperm.xlane v25, v3;
	v23 =	vadd.f32 v23, v26;
	_ =	sdelay $0x1  }
0x97: {  	v25 =	vadd.f32 v28, v25;
	v62 =	vmul.f32 $7.812500000e-03, v23;
	_ =	sdelay $0x1  }
0x98: {  	v23 =	vmul.f32 $7.812500000e-03, v25;
	v25 =	vmul.f32 v62, v62;
	_ =	sdelay $0x1  }
0x99: {  	v23 =	vsub.f32 v23, v25;
	_ =	sdelay $0x1  }
0x9a: {  	v23 =	vadd.f32 $9.999999740e-06, v23;
	_ =	sdelay $0x1  }
0x9b: {  	v25 =	vshrl.u32 v23, $0x1;
	v26 =	vmul.f32 $5.000000000e-01, v23  }
0x9c: {  	v23 =	vsub.s32 $0x5F3759DF, v25  }
0x9d: {  	v25 =	vmul.f32 v23, v26;
	_ =	sdelay $0x1  }
0x9e: {  	v25 =	vmul.f32 v23, v25;
	_ =	sdelay $0x1  }
0x9f: {  	v25 =	vsub.f32 $1.500000000e+00, v25;
	_ =	sdelay $0x1  }
0xa0: {  	v23 =	vmul.f32 v23, v25;
	_ =	sdelay $0x1  }
0xa1: {  	v25 =	vmul.f32 v23, v26;
	_ =	sdelay $0x1  }
0xa2: {  	v25 =	vmul.f32 v25, v23;
	_ =	sdelay $0x1  }
0xa3: {  	v25 =	vsub.f32 $1.500000000e+00, v25;
	_ =	sdelay $0x1  }
0xa4: {  	v28 =	vmul.f32 v25, v23  }
0xa5: {  	v21 =	vsub.f32 v21, v62;
	v22 =	vsub.f32 v22, v62  }
0xa6: {  	v23 =	vsub.f32 v20, v62;
	v25 =	vsub.f32 v24, v62;
	v63 =	vmul.f32 v28, v26  }
0xa7: {  	v24 =	vsub.f32 v27, v62;
	v27 =	vsub.f32 v30, v62  }
0xa8: {  	s26 =	simm.s32 $0x0;
	s25 =	simm.s32 $0x280;
	v20 =	vsub.f32 v29, v62;
	v26 =	vsub.f32 v31, v62;
	v29 =	vmul.f32 v63, v28  }
.LBB2_2:
0xa9: {  	_ = 	snop  }
0xaa: {  	s26 =	sadd.s32 $0x2, s26;
	s24 =	sadd.s32 $0x100, s24;
	s23 =	sadd.s32 $0x100, s23;
	v29 =	vsub.f32 $1.500000000e+00, v29  }
0xab: {  	p0 =	slt.u32 s26, $0xFE  }
0xac: {  	v28 =	vmul.f32 v29, v28;
	_ =	sdelay $0x1  }
0xad: {  	v23 =	vmul.f32 v28, v23;
	v21 =	vmul.f32 v28, v21  }
0xae: {  	v25 =	vmul.f32 v28, v25;
	v24 =	vmul.f32 v28, v24  }
0xaf: {  	v26 =	vmul.f32 v28, v26;
	v27 =	vmul.f32 v28, v27  }
0xb0: {  	v25 =	vmul.f32 v25, v12;
	v24 =	vmul.f32 v24, v9  }
0xb1: {  	v23 =	vmul.f32 v23, v10;
	v26 =	vmul.f32 v26, v13  }
0xb2: {  	v27 =	vmul.f32 v27, v14;
	v25 =	vadd.f32 v25, v19;
	v24 =	vadd.f32 v24, v11  }
0xb3: {  	v22 =	vmul.f32 v28, v22;
	v23 =	vadd.f32 v23, v15;
	v26 =	vadd.f32 v26, v16  }
0xb4: {  	v20 =	vmul.f32 v28, v20;
	v21 =	vmul.f32 v21, v4;
	[tilespmem:s25+$0x10] =	vst v25;
	v25 =	vadd.f32 v27, v18  }
0xb5: {  	v22 =	vmul.f32 v22, v5;
	[tilespmem:s25+$0x0] =	vst v23  }
0xb6: {  	v20 =	vmul.f32 v20, v6;
	v21 =	vadd.f32 v21, v8;
	[tilespmem:s25+$0x60] =	vst v25  }
0xb7: {  	v22 =	vadd.f32 v22, v7;
	[tilespmem:s25+$0x50] =	vst v26  }
0xb8: {  	v20 =	vadd.f32 v20, v17;
	[tilespmem:s25+$0x40] =	vst v24  }
0xb9: {  	[tilespmem:s25+$0x30] =	vst v22  }
0xba: {  	v22 =	vld [tilespmem:s23+$0xFFFFFF90];
	[tilespmem:s25+$0x70] =	vst v20  }
0xbb: {  	v20 =	vld [tilespmem:s23+$0xFFFFFF80];
	[tilespmem:s25+$0x20] =	vst v21;
	s25 =	smov.u32 s23  }
0xbc: {  	v21 =	vld [tilespmem:s24+$0xFFFFFF80]  }
0xbd: {  	v23 =	vld [tilespmem:s24+$0xFFFFFF90]  }
0xbe: {  	v24 =	vld [tilespmem:s24+$0xFFFFFFA0]  }
0xbf: {  	v25 =	vld [tilespmem:s23+$0xFFFFFFA0]  }
0xc0: {  	v26 =	vld [tilespmem:s23+$0xFFFFFFD0]  }
0xc1: {  	v20 =	vadd.f32 v21, v20;
	v21 =	vld [tilespmem:s23+$0xFFFFFFB0]  }
0xc2: {  	v22 =	vadd.f32 v23, v22;
	v23 =	vld [tilespmem:s24+$0xFFFFFFB0]  }
0xc3: {  	v27 =	vadd.f32 $0.0e+00, v20;
	v28 =	vmul.f32 v20, v20;
	v29 =	vld [tilespmem:s23+$0xFFFFFFC0]  }
0xc4: {  	v30 =	vmul.f32 v22, v22;
	v24 =	vadd.f32 v24, v25;
	v25 =	vld [tilespmem:s24+$0xFFFFFFC0]  }
0xc5: {  	v27 =	vadd.f32 v22, v27;
	v31 =	vld [tilespmem:s24+$0xFFFFFFD0]  }
0xc6: {  	v28 =	vadd.f32 v30, v28;
	v30 =	vmul.f32 v24, v24  }
0xc7: {  	v27 =	vadd.f32 v24, v27;
	v21 =	vadd.f32 v23, v21  }
0xc8: {  	v23 =	vadd.f32 v30, v28;
	v28 =	vld [tilespmem:s24+$0xFFFFFFE0]  }
0xc9: {  	v27 =	vadd.f32 v21, v27;
	v30 =	vmul.f32 v21, v21;
	v25 =	vadd.f32 v25, v29;
	v29 =	vld [tilespmem:s23+$0xFFFFFFE0]  }
0xca: {  	v26 =	vadd.f32 v31, v26;
	v31 =	vld [tilespmem:s23+$0xFFFFFFF0]  }
0xcb: {  	v23 =	vadd.f32 v30, v23;
	v27 =	vadd.f32 v25, v27;
	v30 =	vmul.f32 v25, v25;
	v32 =	vld [tilespmem:s24+$0xFFFFFFF0];
	_ =	sdelay $0x1  }
0xcc: {  	v23 =	vadd.f32 v30, v23;
	v27 =	vadd.f32 v26, v27;
	v30 =	vmul.f32 v26, v26  }
0xcd: {  	v28 =	vadd.f32 v28, v29  }
0xce: {  	v23 =	vadd.f32 v30, v23  }
0xcf: {  	v27 =	vadd.f32 v28, v27;
	v29 =	vmul.f32 v28, v28;
	v30 =	vadd.f32 v32, v31;
	_ =	sdelay $0x1  }
0xd0: {  	v23 =	vadd.f32 v29, v23;
	v27 =	vadd.f32 v30, v27;
	v29 =	vmul.f32 v30, v30;
	_ =	sdelay $0x1  }
0xd1: {  	v23 =	vadd.f32 v29, v23;
	v29 =	vperm.xlane v27, v0;
	_ =	sdelay $0x1  }
0xd2: {  	v27 =	vadd.f32 v27, v29;
	v29 =	vperm.xlane v23, v0;
	_ =	sdelay $0x1  }
0xd3: {  	v31 =	vperm.xlane v27, v1;
	v23 =	vadd.f32 v29, v23;
	_ =	sdelay $0x1  }
0xd4: {  	v27 =	vadd.f32 v27, v31;
	v29 =	vperm.xlane v23, v1;
	_ =	sdelay $0x1  }
0xd5: {  	v31 =	vperm.xlane v27, v2;
	v23 =	vadd.f32 v29, v23;
	_ =	sdelay $0x1  }
0xd6: {  	v27 =	vadd.f32 v27, v31;
	v29 =	vperm.xlane v23, v2;
	_ =	sdelay $0x1  }
0xd7: {  	v31 =	vperm.xlane v27, v3;
	v23 =	vadd.f32 v29, v23;
	_ =	sdelay $0x1  }
0xd8: {  	v27 =	vadd.f32 v27, v31;
	v29 =	vperm.xlane v23, v3;
	_ =	sdelay $0x1  }
0xd9: {  	v27 =	vmul.f32 $7.812500000e-03, v27;
	v23 =	vadd.f32 v29, v23;
	_ =	sdelay $0x1  }
0xda: {  	v23 =	vmul.f32 $7.812500000e-03, v23;
	v29 =	vmul.f32 v27, v27;
	v20 =	vsub.f32 v20, v27  }
0xdb: {  	v24 =	vsub.f32 v24, v27;
	v21 =	vsub.f32 v21, v27  }
0xdc: {  	v23 =	vsub.f32 v23, v29;
	v29 =	vsub.f32 v30, v27  }
0xdd: {  	v25 =	vsub.f32 v25, v27;
	v26 =	vsub.f32 v26, v27  }
0xde: {  	v28 =	vsub.f32 v28, v27;
	v23 =	vadd.f32 $9.999999740e-06, v23  }
0xdf: {  	v22 =	vsub.f32 v22, v27  }
0xe0: {  	v27 =	vshrl.u32 v23, $0x1;
	v23 =	vmul.f32 $5.000000000e-01, v23  }
0xe1: {  	v27 =	vsub.s32 $0x5F3759DF, v27  }
0xe2: {  	v30 =	vmul.f32 v27, v23;
	_ =	sdelay $0x1  }
0xe3: {  	v30 =	vmul.f32 v27, v30;
	_ =	sdelay $0x1  }
0xe4: {  	v30 =	vsub.f32 $1.500000000e+00, v30;
	_ =	sdelay $0x1  }
0xe5: {  	v27 =	vmul.f32 v27, v30;
	_ =	sdelay $0x1  }
0xe6: {  	v30 =	vmul.f32 v27, v23;
	_ =	sdelay $0x1  }
0xe7: {  	v30 =	vmul.f32 v30, v27;
	_ =	sdelay $0x1  }
0xe8: {  	v30 =	vsub.f32 $1.500000000e+00, v30;
	_ =	sdelay $0x1  }
0xe9: {  	v27 =	vmul.f32 v30, v27;
	_ =	sdelay $0x1  }
0xea: {  	v23 =	vmul.f32 v27, v23;
	_ =	sdelay $0x1  }
0xeb: {  	v23 =	vmul.f32 v23, v27;
	_ =	sdelay $0x1  }
0xec: {  	v23 =	vsub.f32 $1.500000000e+00, v23;
	_ =	sdelay $0x1  }
0xed: {  	v23 =	vmul.f32 v23, v27;
	_ =	sdelay $0x1  }
0xee: {  	v20 =	vmul.f32 v23, v20;
	v21 =	vmul.f32 v23, v21  }
0xef: {  	v24 =	vmul.f32 v23, v24;
	v27 =	vmul.f32 v23, v29  }
0xf0: {  	v25 =	vmul.f32 v23, v25;
	v21 =	vmul.f32 v21, v5  }
0xf1: {  	v20 =	vmul.f32 v20, v10;
	v24 =	vmul.f32 v24, v4  }
0xf2: {  	v26 =	vmul.f32 v23, v26;
	v25 =	vmul.f32 v25, v9  }
0xf3: {  	v28 =	vmul.f32 v23, v28;
	v24 =	vadd.f32 v24, v8;
	v21 =	vadd.f32 v21, v7  }
0xf4: {  	v22 =	vmul.f32 v23, v22;
	v23 =	vadd.f32 v25, v11;
	v25 =	vmul.f32 v26, v13  }
0xf5: {  	v20 =	vadd.f32 v20, v15;
	v26 =	vmul.f32 v27, v6;
	[tilespmem:s23+$0xFFFFFFB0] =	vst v21;
	v21 =	vmul.f32 v28, v14  }
0xf6: {  	v22 =	vmul.f32 v22, v12;
	[tilespmem:s23+$0xFFFFFFC0] =	vst v23;
	v23 =	vadd.f32 v25, v16  }
0xf7: {  	[tilespmem:s23+$0xFFFFFFA0] =	vst v24;
	v21 =	vadd.f32 v21, v18;
	v24 =	vadd.f32 v26, v17  }
0xf8: {  	v22 =	vadd.f32 v22, v19;
	[tilespmem:s23+$0xFFFFFFD0] =	vst v23  }
0xf9: {  	[tilespmem:s23+$0xFFFFFFE0] =	vst v21  }
0xfa: {  	[tilespmem:s23+$0xFFFFFF90] =	vst v22;
	v21 =	vld [tilespmem:s23+$0x20]  }
0xfb: {  	[tilespmem:s23+$0xFFFFFF80] =	vst v20;
	v20 =	vld [tilespmem:s23+$0x10]  }
0xfc: {  	[tilespmem:s23+$0xFFFFFFF0] =	vst v24;
	v22 =	vld [tilespmem:s23+$0x0]  }
0xfd: {  	v23 =	vld [tilespmem:s24+$0x0]  }
0xfe: {  	v24 =	vld [tilespmem:s24+$0x20]  }
0xff: {  	v25 =	vld [tilespmem:s24+$0x10]  }
0x100: {  	v26 =	vld [tilespmem:s24+$0x30]  }
0x101: {  	v27 =	vld [tilespmem:s24+$0x40]  }
0x102: {  	v22 =	vadd.f32 v23, v22  }
0x103: {  	v23 =	vld [tilespmem:s23+$0x30]  }
0x104: {  	v28 =	vadd.f32 $0.0e+00, v22;
	v29 =	vmul.f32 v22, v22;
	v20 =	vadd.f32 v25, v20  }
0x105: {  	v25 =	vld [tilespmem:s23+$0x40]  }
0x106: {  	v21 =	vadd.f32 v24, v21;
	v28 =	vadd.f32 v20, v28;
	v30 =	vmul.f32 v20, v20;
	v24 =	vld [tilespmem:s23+$0x50]  }
0x107: {  	v31 =	vld [tilespmem:s24+$0x50]  }
0x108: {  	v29 =	vadd.f32 v30, v29;
	v30 =	vmul.f32 v21, v21;
	v32 =	vadd.f32 v26, v23;
	v23 =	vld [tilespmem:s23+$0x60]  }
0x109: {  	v26 =	vadd.f32 v21, v28;
	v28 =	vld [tilespmem:s24+$0x60]  }
0x10a: {  	v29 =	vadd.f32 v30, v29;
	v30 =	vmul.f32 v32, v32;
	v27 =	vadd.f32 v27, v25;
	v25 =	vld [tilespmem:s23+$0x70]  }
0x10b: {  	v26 =	vadd.f32 v32, v26;
	v33 =	vld [tilespmem:s24+$0x70]  }
0x10c: {  	v29 =	vadd.f32 v30, v29;
	v30 =	vmul.f32 v27, v27;
	v31 =	vadd.f32 v31, v24  }
0x10d: {  	v24 =	vadd.f32 v27, v26  }
0x10e: {  	v26 =	vadd.f32 v30, v29;
	v29 =	vmul.f32 v31, v31;
	v28 =	vadd.f32 v28, v23  }
0x10f: {  	v23 =	vadd.f32 v31, v24  }
0x110: {  	v24 =	vadd.f32 v29, v26;
	v26 =	vmul.f32 v28, v28;
	v29 =	vadd.f32 v33, v25  }
0x111: {  	v23 =	vadd.f32 v28, v23  }
0x112: {  	v24 =	vadd.f32 v26, v24;
	v25 =	vmul.f32 v29, v29  }
0x113: {  	v23 =	vadd.f32 v29, v23  }
0x114: {  	v24 =	vadd.f32 v25, v24  }
0x115: {  	v25 =	vperm.xlane v23, v0  }
0x116: {  	v26 =	vperm.xlane v24, v0  }
0x117: {  	v23 =	vadd.f32 v23, v25  }
0x118: {  	v24 =	vadd.f32 v26, v24  }
0x119: {  	v25 =	vperm.xlane v23, v1  }
0x11a: {  	v26 =	vperm.xlane v24, v1  }
0x11b: {  	v23 =	vadd.f32 v23, v25  }
0x11c: {  	v24 =	vadd.f32 v26, v24  }
0x11d: {  	v25 =	vperm.xlane v23, v2  }
0x11e: {  	v26 =	vperm.xlane v24, v2  }
0x11f: {  	v23 =	vadd.f32 v23, v25  }
0x120: {  	v24 =	vadd.f32 v26, v24  }
0x121: {  	v25 =	vperm.xlane v23, v3  }
0x122: {  	v26 =	vperm.xlane v24, v3  }
0x123: {  	v23 =	vadd.f32 v23, v25  }
0x124: {  	v24 =	vadd.f32 v26, v24  }
0x125: {  	v30 =	vmul.f32 $7.812500000e-03, v23;
	_ =	sdelay $0x1  }
0x126: {  	v24 =	vmul.f32 $7.812500000e-03, v24;
	v26 =	vmul.f32 v30, v30;
	v23 =	vsub.f32 v22, v30  }
0x127: {  	v25 =	vsub.f32 v20, v30;
	v21 =	vsub.f32 v21, v30  }
0x128: {  	v20 =	vsub.f32 v24, v26;
	v24 =	vsub.f32 v27, v30  }
0x129: {  	v26 =	vsub.f32 v31, v30;
	v27 =	vsub.f32 v28, v30  }
0x12a: {  	v22 =	vsub.f32 v32, v30;
	v28 =	vadd.f32 $9.999999740e-06, v20  }
0x12b: {  	v20 =	vsub.f32 v29, v30  }
0x12c: {  	v29 =	vshrl.u32 v28, $0x1;
	v30 =	vmul.f32 $5.000000000e-01, v28  }
0x12d: {  	v28 =	vsub.s32 $0x5F3759DF, v29  }
0x12e: {  	v29 =	vmul.f32 v28, v30;
	_ =	sdelay $0x1  }
0x12f: {  	v29 =	vmul.f32 v28, v29;
	_ =	sdelay $0x1  }
0x130: {  	v29 =	vsub.f32 $1.500000000e+00, v29;
	_ =	sdelay $0x1  }
0x131: {  	v28 =	vmul.f32 v28, v29;
	_ =	sdelay $0x1  }
0x132: {  	v29 =	vmul.f32 v28, v30;
	_ =	sdelay $0x1  }
0x133: {  	v29 =	vmul.f32 v29, v28;
	_ =	sdelay $0x1  }
0x134: {  	v29 =	vsub.f32 $1.500000000e+00, v29;
	_ =	sdelay $0x1  }
.Ltmp0:
0x135: {  	v28 =	vmul.f32 v29, v28;
	(pc) =	sbr.rel @p0 .LBB2_2-.Ltmp0, $3  }
0x136: {  	_ = 	snop  }
0x137: {  	v29 =	vmul.f32 v28, v30;
	_ =	sdelay $0x1  }
0x138: {  	v29 =	vmul.f32 v29, v28  }
0x139: {  	_ = 	snop  }
0x13a: {  	v29 =	vsub.f32 $1.500000000e+00, v29;
	_ =	sdelay $0x1  }
0x13b: {  	v28 =	vmul.f32 v29, v28;
	_ =	sdelay $0x1  }
0x13c: {  	v25 =	vmul.f32 v28, v25  }
0x13d: {  	v23 =	vmul.f32 v28, v23  }
0x13e: {  	v27 =	vmul.f32 v28, v27;
	v12 =	vmul.f32 v25, v12  }
0x13f: {  	v58 =	vmul.f32 v28, v26;
	v10 =	vmul.f32 v23, v10  }
0x140: {  	v59 =	vmul.f32 v28, v24;
	v14 =	vmul.f32 v27, v14;
	v12 =	vadd.f32 v12, v19  }
0x141: {  	v60 =	vmul.f32 v28, v22;
	v13 =	vmul.f32 v58, v13;
	v10 =	vadd.f32 v10, v15  }
0x142: {  	v62 =	vmul.f32 v28, v20;
	v9 =	vmul.f32 v59, v9;
	v61 =	vadd.f32 v14, v18;
	[tilespmem:s25+$0x10] =	vst v12  }
0x143: {  	v63 =	vmul.f32 v28, v21;
	v5 =	vmul.f32 v60, v5;
	v13 =	vadd.f32 v13, v16;
	[tilespmem:s25+$0x0] =	vst v10  }
0x144: {  	v6 =	vmul.f32 v62, v6;
	v9 =	vadd.f32 v9, v11;
	[tilespmem:s25+$0x60] =	vst v61  }
0x145: {  	v4 =	vmul.f32 v63, v4;
	v5 =	vadd.f32 v5, v7;
	[tilespmem:s25+$0x50] =	vst v13  }
0x146: {  	v6 =	vadd.f32 v6, v17;
	[tilespmem:s25+$0x40] =	vst v9  }
0x147: {  	s22 =	sadd.s32 $0x1, s22;
	v4 =	vadd.f32 v4, v8;
	[tilespmem:s25+$0x30] =	vst v5  }
0x148: {  	p0 =	sne.s32 s22, s10;
	[tilespmem:s25+$0x70] =	vst v6  }
.Ltmp1:
0x149: {  	[tilespmem:s25+$0x20] =	vst v4;
	(pc) =	sbr.rel @p0 .LBB2_1-.Ltmp1, $4  }
0x14a: {  	[hbm4b:s9+s6] =	stream.linear.scatter [tilespmem:s16], [sflag:$0x2], $0x8000, $0x38;
	[tilespmem:$0x10300] =	vst v63  }
0x14b: {  	_ =	swait.ge [sflag:s11], $0x8000  }
0x14c: {  	[sflag:s11] =	ssyncset.done $0x0  }
0x14d: {  	[sflag:s11] =	ssyncadd.s32 $0xFFFF8000  }
0x14e: {  	_ =	sfence.sel $0x180000  }
0x14f: {  	[bflag:$0x0] =	sbarrier.arrive $0xFFFF  }
0x150: {  	p0 =	sne.s32 s4, $0x0;
	_ =	strace $0x90000047  }
0x151: {  	s0 =	sadd.s32 @!p0 $0x100000, s5;
	[bflag:$0x2] =	sbarrier.arrive $0xFFFF  }
0x152: {  	[sflag:s0] =	ssyncadd.tile.s32 @!p0 $0x1;
	_ =	shalt  }
.Lfunc_end2:
_tile_overlayer_lowered:
.L_overlay_start_2:
0x153: {  	(tag) =	ssettag $0x2  }
0x154: {  	s0 =	rddreg [dreg:$0x0];
	s2 =	stileid.u32  }
0x155: {  	s1 =	rddreg [dreg:$0x1];
	p0 =	sne.s32 s2, $0x0  }
0x156: {  	s3 =	rddreg [dreg:$0x2];
	[bflag:$0x3] =	sbarrier.arrive $0xFFFF;
	s2 =	simm.s32 @!p0 $0x1C02  }
0x157: {  	[timem:s3], [sflag:s2] =	dma.local @!p0 [hbm:s0], s1  }
0x158: {  	s0 =	simm.s32 @!p0 $0x2  }
0x159: {  	_ =	swait.ge @!p0 [sflag:s0], s1  }
0x15a: {  	s1 =	ssub.s32 @!p0 $0x0, s1;
	[sflag:s0] =	ssyncset.done @!p0 $0x0  }
0x15b: {  	[sflag:s0] =	ssyncadd.s32 @!p0 s1  }
0x15c: {  	[bflag:$0x3] =	sbarrier.arrive $0xFFFF  }
0x15d: {  	_ =	shalt  }

</sc_bundles>
